<compile_context>
chip_gen: v7x
topology: tpu7x:2x2x1
jax: 0.10.2.dev20260603
libtpu: 0.0.44.dev20260713+nightly
codegen_flags: <defaults>
</compile_context>

<pallas_src>
import functools

import jax
import jax.numpy as jnp
from jax import lax
from jax.experimental import pallas as pl
from jax.experimental.pallas import tpu as pltpu
from jax.experimental.pallas import tpu_sc as plsc

NC = 2
NS = 16
NW = NC * NS
CH = 128
NBUF = 5


@functools.lru_cache(maxsize=None)
def _make_gather(NJ: int, D: int):
    B = NW * NJ * CH
    mesh = plsc.VectorSubcoreMesh(
        core_axis_name="c", subcore_axis_name="s",
        num_cores=NC, num_subcores=NS,
    )

    @functools.partial(
        pl.kernel,
        out_type=jax.ShapeDtypeStruct((B, D), jnp.float32),
        mesh=mesh,
        scratch_types=[
            pltpu.VMEM((NJ, CH), jnp.int32),
            pltpu.VMEM((NBUF, CH, D), jnp.float32),
            pltpu.SemaphoreType.DMA((NBUF,)),
            pltpu.SemaphoreType.DMA((NBUF,)),
        ],
    )
    def gather_kernel(idx_hbm, table_hbm, out_hbm, idx_v, rows_v, gsem, ssem):
        wid = lax.axis_index("s") * NC + lax.axis_index("c")
        rbase = wid * (NJ * CH)

        pltpu.sync_copy(idx_hbm.at[wid], idx_v)

        def start_gather(j, b):
            pltpu.async_copy(table_hbm.at[idx_v.at[j]], rows_v.at[b],
                             gsem.at[b])

        def wait_gather(b):
            pltpu.make_async_copy(table_hbm.at[idx_v.at[0]], rows_v.at[b],
                                  gsem.at[b]).wait()

        def start_store(j, b):
            pltpu.async_copy(rows_v.at[b],
                             out_hbm.at[pl.ds(rbase + j * CH, CH)],
                             ssem.at[b])

        def wait_store(b):
            pltpu.make_async_copy(rows_v.at[b],
                                  out_hbm.at[pl.ds(rbase, CH)],
                                  ssem.at[b]).wait()

        for b in range(NBUF):
            start_gather(b, b)

        def body(g, carry):
            j0 = g * NBUF
            for b in range(NBUF):
                wait_gather(b)
                start_store(j0 + b, b)
            for b in range(NBUF):
                wait_store(b)
                start_gather(j0 + NBUF + b, b)
            return carry

        lax.fori_loop(0, NJ // NBUF - 1, body, 0, unroll=False)

        j0 = NJ - NBUF
        for b in range(NBUF):
            wait_gather(b)
            start_store(j0 + b, b)
        for b in range(NBUF):
            wait_store(b)

    return gather_kernel


def kernel(pos_ids, embedding_table):
    Bb, S = pos_ids.shape
    V, D = embedding_table.shape
    n = Bb * S
    NJ = n // (NW * CH)
    idx = pos_ids.reshape(NW, NJ, CH).astype(jnp.int32)
    out = _make_gather(NJ, D)(idx, embedding_table)
    return out.reshape(Bb, S, D)

# --- scband reference (transcript-rebuilt; emitter-appended) ---
"""Pipeline reference for scband-positional-encoder-87153476370455 (READ-ONLY COPY).

The authoritative reference and input builder live on the scoring server;
editing this copy changes nothing except your own understanding.
"""

import jax, jax.numpy as jnp
import numpy as np

VOCAB = 100000
EMBED_DIM = 128
BATCH = 4096
SEQ = 200

def setup_inputs(seed: int = 0) -> dict:
    key = jax.random.key(seed)
    k_idx, k_tab = jax.random.split(key)
    pos_ids = jax.random.randint(k_idx, (BATCH, SEQ), 0, VOCAB, dtype=jnp.int64 if jax.config.jax_enable_x64 else jnp.int32)
    embedding_table = jax.random.normal(k_tab, (VOCAB, EMBED_DIM), dtype=jnp.float32) * 0.02
    return {"pos_ids": pos_ids, "embedding_table": embedding_table}

def reference(pos_ids, embedding_table):
    # Faithful translation of tf.keras.layers.Embedding lookup:
    # embed = Embedding(pos_ids) -> gather rows of table
    embed = jnp.take(embedding_table, pos_ids, axis=0)
    return embed

if __name__ == "__main__":
    import jax
    _d = setup_inputs()
    print(jax.jit(kernel)(*tuple(_d.values())))

</pallas_src>

<mosaic_0001>
#map = affine_map<(d0, d1) -> (0, 0, 0)>
#map1 = affine_map<(d0, d1) -> (0, 0)>
module attributes {stable_mosaic.version = 14 : i64} {
  func.func @gather_kernel(%arg0: i32, %arg1: i32, %arg2: memref<32x200x128xi32, #tpu.memory_space<hbm>>, %arg3: memref<100000x128xf32, #tpu.memory_space<hbm>>, %arg4: memref<819200x128xf32, #tpu.memory_space<hbm>>, %arg5: memref<200x128xi32, #tpu.memory_space<vmem>>, %arg6: memref<5x128x128xf32, #tpu.memory_space<vmem>>, %arg7: memref<5x!tpu.dma_semaphore, #tpu.memory_space<semaphore_mem>>, %arg8: memref<5x!tpu.dma_semaphore, #tpu.memory_space<semaphore_mem>>) attributes {dimension_semantics = [#tpu.dimension_semantics<core_parallel>, #tpu.dimension_semantics<subcore_parallel>], iteration_bounds = array<i64: 2, 16>, scalar_prefetch = 0 : i64, scratch_operands = 4 : i64, tpu.core_type = #tpu.core_type<sc_vector_subcore>, window_params = [{transform_indices = #map}, {transform_indices = #map1}, {transform_indices = #map1}]} {
    %mul3A = arith.constant 2 : i32
    %mul3A_0 = arith.muli %arg1, %mul3A : i32
    %add3A = arith.addi %mul3A_0, %arg0 : i32
    %mul3A_1 = arith.constant 25600 : i32
    %mul3A_2 = arith.muli %add3A, %mul3A_1 : i32
    "tpu.region"() ({
      %run_scoped3A = tpu.sem_alloc : memref<!tpu.dma_semaphore, #tpu.memory_space<semaphore_mem>>
      %dma_start3A_326 = arith.constant 0 : i32
      %dma_start3A_327 = arith.constant 0 : i32
      %dma_start3A_328 = tpu.memref_slice %arg2[%add3A, %dma_start3A_326, %dma_start3A_327] : memref<32x200x128xi32, #tpu.memory_space<hbm>> -> memref<1x200x128xi32, #tpu.memory_space<hbm>>
      %dma_start3A_329 = tpu.memref_squeeze %dma_start3A_328 : memref<1x200x128xi32, #tpu.memory_space<hbm>> -> memref<200x128xi32, #tpu.memory_space<hbm>>
      %dma_start3A_330 = arith.constant 0 : i32
      %dma_start3A_331 = arith.constant 0 : i32
      %dma_start3A_332 = tpu.memref_slice %arg2[%add3A, %dma_start3A_330, %dma_start3A_331] : memref<32x200x128xi32, #tpu.memory_space<hbm>> -> memref<1x200x128xi32, #tpu.memory_space<hbm>>
      %dma_start3A_333 = tpu.memref_squeeze %dma_start3A_332 : memref<1x200x128xi32, #tpu.memory_space<hbm>> -> memref<200x128xi32, #tpu.memory_space<hbm>>
      tpu.enqueue_dma source(%dma_start3A_333 : memref<200x128xi32, #tpu.memory_space<hbm>>) target(%arg5 : memref<200x128xi32, #tpu.memory_space<vmem>>) target_semaphore(%run_scoped3A : memref<!tpu.dma_semaphore, #tpu.memory_space<semaphore_mem>>)
      %dma_wait3A_334 = arith.constant 0 : i32
      %dma_wait3A_335 = arith.constant 0 : i32
      %dma_wait3A_336 = tpu.memref_slice %arg2[%add3A, %dma_wait3A_334, %dma_wait3A_335] : memref<32x200x128xi32, #tpu.memory_space<hbm>> -> memref<1x200x128xi32, #tpu.memory_space<hbm>>
      %dma_wait3A_337 = tpu.memref_squeeze %dma_wait3A_336 : memref<1x200x128xi32, #tpu.memory_space<hbm>> -> memref<200x128xi32, #tpu.memory_space<hbm>>
      %dma_wait3A_338 = arith.constant 0 : i32
      %dma_wait3A_339 = arith.constant 0 : i32
      %dma_wait3A_340 = tpu.memref_slice %arg2[%add3A, %dma_wait3A_338, %dma_wait3A_339] : memref<32x200x128xi32, #tpu.memory_space<hbm>> -> memref<1x200x128xi32, #tpu.memory_space<hbm>>
      %dma_wait3A_341 = tpu.memref_squeeze %dma_wait3A_340 : memref<1x200x128xi32, #tpu.memory_space<hbm>> -> memref<200x128xi32, #tpu.memory_space<hbm>>
      tpu.wait_dma2 semaphore(%run_scoped3A : memref<!tpu.dma_semaphore, #tpu.memory_space<semaphore_mem>>) src(%dma_wait3A_341 : memref<200x128xi32, #tpu.memory_space<hbm>>) dst(%arg5 : memref<200x128xi32, #tpu.memory_space<vmem>>)
      tpu.yield
    }) : () -> ()
    %dma_start3A = arith.constant 0 : i32
    %dma_start3A_3 = arith.constant 0 : i32
    %dma_start3A_4 = arith.constant 0 : i32
    %dma_start3A_5 = arith.constant 0 : i32
    %dma_start3A_6 = arith.constant 0 : i32
    %dma_start3A_7 = tpu.memref_slice %arg6[%dma_start3A_3, %dma_start3A_5, %dma_start3A_6] : memref<5x128x128xf32, #tpu.memory_space<vmem>> -> memref<1x128x128xf32, #tpu.memory_space<vmem>>
    %dma_start3A_8 = tpu.memref_squeeze %dma_start3A_7 : memref<1x128x128xf32, #tpu.memory_space<vmem>> -> memref<128x128xf32, #tpu.memory_space<vmem>>
    %dma_start3A_9 = arith.constant 0 : i32
    %dma_start3A_10 = tpu.memref_slice %arg5[%dma_start3A, %dma_start3A_9] : memref<200x128xi32, #tpu.memory_space<vmem>> -> memref<1x128xi32, #tpu.memory_space<vmem>>
    %dma_start3A_11 = tpu.memref_squeeze %dma_start3A_10 : memref<1x128xi32, #tpu.memory_space<vmem>> -> memref<128xi32, #tpu.memory_space<vmem>>
    %dma_start3A_12 = arith.constant 0 : i32
    %dma_start3A_13 = arith.constant 0 : i32
    %dma_start3A_14 = tpu.memref_slice %arg3[%dma_start3A_12, %dma_start3A_13] : memref<100000x128xf32, #tpu.memory_space<hbm>> -> memref<100000x128xf32, #tpu.memory_space<hbm>>
    %dma_start3A_15 = tpu.memref_slice %arg7[%dma_start3A_4] : memref<5x!tpu.dma_semaphore, #tpu.memory_space<semaphore_mem>> -> memref<1x!tpu.dma_semaphore, #tpu.memory_space<semaphore_mem>>
    %dma_start3A_16 = tpu.memref_squeeze %dma_start3A_15 : memref<1x!tpu.dma_semaphore, #tpu.memory_space<semaphore_mem>> -> memref<!tpu.dma_semaphore, #tpu.memory_space<semaphore_mem>>
    tpu.enqueue_indirect_dma source(%dma_start3A_14 : memref<100000x128xf32, #tpu.memory_space<hbm>>) target(%dma_start3A_8 : memref<128x128xf32, #tpu.memory_space<vmem>>) offsets(%dma_start3A_11 : memref<128xi32, #tpu.memory_space<vmem>>) semaphore(%dma_start3A_16 : memref<!tpu.dma_semaphore, #tpu.memory_space<semaphore_mem>>)
    %dma_start3A_17 = arith.constant 1 : i32
    %dma_start3A_18 = arith.constant 1 : i32
    %dma_start3A_19 = arith.constant 1 : i32
    %dma_start3A_20 = arith.constant 0 : i32
    %dma_start3A_21 = arith.constant 0 : i32
    %dma_start3A_22 = tpu.memref_slice %arg6[%dma_start3A_18, %dma_start3A_20, %dma_start3A_21] : memref<5x128x128xf32, #tpu.memory_space<vmem>> -> memref<1x128x128xf32, #tpu.memory_space<vmem>>
    %dma_start3A_23 = tpu.memref_squeeze %dma_start3A_22 : memref<1x128x128xf32, #tpu.memory_space<vmem>> -> memref<128x128xf32, #tpu.memory_space<vmem>>
    %dma_start3A_24 = arith.constant 0 : i32
    %dma_start3A_25 = tpu.memref_slice %arg5[%dma_start3A_17, %dma_start3A_24] : memref<200x128xi32, #tpu.memory_space<vmem>> -> memref<1x128xi32, #tpu.memory_space<vmem>>
    %dma_start3A_26 = tpu.memref_squeeze %dma_start3A_25 : memref<1x128xi32, #tpu.memory_space<vmem>> -> memref<128xi32, #tpu.memory_space<vmem>>
    %dma_start3A_27 = arith.constant 0 : i32
    %dma_start3A_28 = arith.constant 0 : i32
    %dma_start3A_29 = tpu.memref_slice %arg3[%dma_start3A_27, %dma_start3A_28] : memref<100000x128xf32, #tpu.memory_space<hbm>> -> memref<100000x128xf32, #tpu.memory_space<hbm>>
    %dma_start3A_30 = tpu.memref_slice %arg7[%dma_start3A_19] : memref<5x!tpu.dma_semaphore, #tpu.memory_space<semaphore_mem>> -> memref<1x!tpu.dma_semaphore, #tpu.memory_space<semaphore_mem>>
    %dma_start3A_31 = tpu.memref_squeeze %dma_start3A_30 : memref<1x!tpu.dma_semaphore, #tpu.memory_space<semaphore_mem>> -> memref<!tpu.dma_semaphore, #tpu.memory_space<semaphore_mem>>
    tpu.enqueue_indirect_dma source(%dma_start3A_29 : memref<100000x128xf32, #tpu.memory_space<hbm>>) target(%dma_start3A_23 : memref<128x128xf32, #tpu.memory_space<vmem>>) offsets(%dma_start3A_26 : memref<128xi32, #tpu.memory_space<vmem>>) semaphore(%dma_start3A_31 : memref<!tpu.dma_semaphore, #tpu.memory_space<semaphore_mem>>)
    %dma_start3A_32 = arith.constant 2 : i32
    %dma_start3A_33 = arith.constant 2 : i32
    %dma_start3A_34 = arith.constant 2 : i32
    %dma_start3A_35 = arith.constant 0 : i32
    %dma_start3A_36 = arith.constant 0 : i32
    %dma_start3A_37 = tpu.memref_slice %arg6[%dma_start3A_33, %dma_start3A_35, %dma_start3A_36] : memref<5x128x128xf32, #tpu.memory_space<vmem>> -> memref<1x128x128xf32, #tpu.memory_space<vmem>>
    %dma_start3A_38 = tpu.memref_squeeze %dma_start3A_37 : memref<1x128x128xf32, #tpu.memory_space<vmem>> -> memref<128x128xf32, #tpu.memory_space<vmem>>
    %dma_start3A_39 = arith.constant 0 : i32
    %dma_start3A_40 = tpu.memref_slice %arg5[%dma_start3A_32, %dma_start3A_39] : memref<200x128xi32, #tpu.memory_space<vmem>> -> memref<1x128xi32, #tpu.memory_space<vmem>>
    %dma_start3A_41 = tpu.memref_squeeze %dma_start3A_40 : memref<1x128xi32, #tpu.memory_space<vmem>> -> memref<128xi32, #tpu.memory_space<vmem>>
    %dma_start3A_42 = arith.constant 0 : i32
    %dma_start3A_43 = arith.constant 0 : i32
    %dma_start3A_44 = tpu.memref_slice %arg3[%dma_start3A_42, %dma_start3A_43] : memref<100000x128xf32, #tpu.memory_space<hbm>> -> memref<100000x128xf32, #tpu.memory_space<hbm>>
    %dma_start3A_45 = tpu.memref_slice %arg7[%dma_start3A_34] : memref<5x!tpu.dma_semaphore, #tpu.memory_space<semaphore_mem>> -> memref<1x!tpu.dma_semaphore, #tpu.memory_space<semaphore_mem>>
    %dma_start3A_46 = tpu.memref_squeeze %dma_start3A_45 : memref<1x!tpu.dma_semaphore, #tpu.memory_space<semaphore_mem>> -> memref<!tpu.dma_semaphore, #tpu.memory_space<semaphore_mem>>
    tpu.enqueue_indirect_dma source(%dma_start3A_44 : memref<100000x128xf32, #tpu.memory_space<hbm>>) target(%dma_start3A_38 : memref<128x128xf32, #tpu.memory_space<vmem>>) offsets(%dma_start3A_41 : memref<128xi32, #tpu.memory_space<vmem>>) semaphore(%dma_start3A_46 : memref<!tpu.dma_semaphore, #tpu.memory_space<semaphore_mem>>)
    %dma_start3A_47 = arith.constant 3 : i32
    %dma_start3A_48 = arith.constant 3 : i32
    %dma_start3A_49 = arith.constant 3 : i32
    %dma_start3A_50 = arith.constant 0 : i32
    %dma_start3A_51 = arith.constant 0 : i32
    %dma_start3A_52 = tpu.memref_slice %arg6[%dma_start3A_48, %dma_start3A_50, %dma_start3A_51] : memref<5x128x128xf32, #tpu.memory_space<vmem>> -> memref<1x128x128xf32, #tpu.memory_space<vmem>>
    %dma_start3A_53 = tpu.memref_squeeze %dma_start3A_52 : memref<1x128x128xf32, #tpu.memory_space<vmem>> -> memref<128x128xf32, #tpu.memory_space<vmem>>
    %dma_start3A_54 = arith.constant 0 : i32
    %dma_start3A_55 = tpu.memref_slice %arg5[%dma_start3A_47, %dma_start3A_54] : memref<200x128xi32, #tpu.memory_space<vmem>> -> memref<1x128xi32, #tpu.memory_space<vmem>>
    %dma_start3A_56 = tpu.memref_squeeze %dma_start3A_55 : memref<1x128xi32, #tpu.memory_space<vmem>> -> memref<128xi32, #tpu.memory_space<vmem>>
    %dma_start3A_57 = arith.constant 0 : i32
    %dma_start3A_58 = arith.constant 0 : i32
    %dma_start3A_59 = tpu.memref_slice %arg3[%dma_start3A_57, %dma_start3A_58] : memref<100000x128xf32, #tpu.memory_space<hbm>> -> memref<100000x128xf32, #tpu.memory_space<hbm>>
    %dma_start3A_60 = tpu.memref_slice %arg7[%dma_start3A_49] : memref<5x!tpu.dma_semaphore, #tpu.memory_space<semaphore_mem>> -> memref<1x!tpu.dma_semaphore, #tpu.memory_space<semaphore_mem>>
    %dma_start3A_61 = tpu.memref_squeeze %dma_start3A_60 : memref<1x!tpu.dma_semaphore, #tpu.memory_space<semaphore_mem>> -> memref<!tpu.dma_semaphore, #tpu.memory_space<semaphore_mem>>
    tpu.enqueue_indirect_dma source(%dma_start3A_59 : memref<100000x128xf32, #tpu.memory_space<hbm>>) target(%dma_start3A_53 : memref<128x128xf32, #tpu.memory_space<vmem>>) offsets(%dma_start3A_56 : memref<128xi32, #tpu.memory_space<vmem>>) semaphore(%dma_start3A_61 : memref<!tpu.dma_semaphore, #tpu.memory_space<semaphore_mem>>)
    %dma_start3A_62 = arith.constant 4 : i32
    %dma_start3A_63 = arith.constant 4 : i32
    %dma_start3A_64 = arith.constant 4 : i32
    %dma_start3A_65 = arith.constant 0 : i32
    %dma_start3A_66 = arith.constant 0 : i32
    %dma_start3A_67 = tpu.memref_slice %arg6[%dma_start3A_63, %dma_start3A_65, %dma_start3A_66] : memref<5x128x128xf32, #tpu.memory_space<vmem>> -> memref<1x128x128xf32, #tpu.memory_space<vmem>>
    %dma_start3A_68 = tpu.memref_squeeze %dma_start3A_67 : memref<1x128x128xf32, #tpu.memory_space<vmem>> -> memref<128x128xf32, #tpu.memory_space<vmem>>
    %dma_start3A_69 = arith.constant 0 : i32
    %dma_start3A_70 = tpu.memref_slice %arg5[%dma_start3A_62, %dma_start3A_69] : memref<200x128xi32, #tpu.memory_space<vmem>> -> memref<1x128xi32, #tpu.memory_space<vmem>>
    %dma_start3A_71 = tpu.memref_squeeze %dma_start3A_70 : memref<1x128xi32, #tpu.memory_space<vmem>> -> memref<128xi32, #tpu.memory_space<vmem>>
    %dma_start3A_72 = arith.constant 0 : i32
    %dma_start3A_73 = arith.constant 0 : i32
    %dma_start3A_74 = tpu.memref_slice %arg3[%dma_start3A_72, %dma_start3A_73] : memref<100000x128xf32, #tpu.memory_space<hbm>> -> memref<100000x128xf32, #tpu.memory_space<hbm>>
    %dma_start3A_75 = tpu.memref_slice %arg7[%dma_start3A_64] : memref<5x!tpu.dma_semaphore, #tpu.memory_space<semaphore_mem>> -> memref<1x!tpu.dma_semaphore, #tpu.memory_space<semaphore_mem>>
    %dma_start3A_76 = tpu.memref_squeeze %dma_start3A_75 : memref<1x!tpu.dma_semaphore, #tpu.memory_space<semaphore_mem>> -> memref<!tpu.dma_semaphore, #tpu.memory_space<semaphore_mem>>
    tpu.enqueue_indirect_dma source(%dma_start3A_74 : memref<100000x128xf32, #tpu.memory_space<hbm>>) target(%dma_start3A_68 : memref<128x128xf32, #tpu.memory_space<vmem>>) offsets(%dma_start3A_71 : memref<128xi32, #tpu.memory_space<vmem>>) semaphore(%dma_start3A_76 : memref<!tpu.dma_semaphore, #tpu.memory_space<semaphore_mem>>)
    %scan3A = arith.constant 0 : i32
    %scan3A_77 = arith.constant 0 : i32
    %scan3A_78 = arith.constant 39 : i32
    %scan3A_79 = arith.addi %scan3A_77, %scan3A_78 : i32
    %scan3A_80 = arith.constant 1 : i32
    scf.for %scan3A_326 = %scan3A_77 to %scan3A_79 step %scan3A_80  : i32 {
      %mul3A_327 = arith.constant 5 : i32
      %mul3A_328 = arith.muli %scan3A_326, %mul3A_327 : i32
      %dma_wait3A_329 = arith.constant 0 : i32
      %dma_wait3A_330 = arith.constant 0 : i32
      %dma_wait3A_331 = arith.constant 0 : i32
      %dma_wait3A_332 = arith.constant 0 : i32
      %dma_wait3A_333 = arith.constant 0 : i32
      %dma_wait3A_334 = tpu.memref_slice %arg6[%dma_wait3A_330, %dma_wait3A_332, %dma_wait3A_333] : memref<5x128x128xf32, #tpu.memory_space<vmem>> -> memref<1x128x128xf32, #tpu.memory_space<vmem>>
      %dma_wait3A_335 = tpu.memref_squeeze %dma_wait3A_334 : memref<1x128x128xf32, #tpu.memory_space<vmem>> -> memref<128x128xf32, #tpu.memory_space<vmem>>
      %dma_wait3A_336 = arith.constant 0 : i32
      %dma_wait3A_337 = tpu.memref_slice %arg5[%dma_wait3A_329, %dma_wait3A_336] : memref<200x128xi32, #tpu.memory_space<vmem>> -> memref<1x128xi32, #tpu.memory_space<vmem>>
      %dma_wait3A_338 = tpu.memref_squeeze %dma_wait3A_337 : memref<1x128xi32, #tpu.memory_space<vmem>> -> memref<128xi32, #tpu.memory_space<vmem>>
      %dma_wait3A_339 = arith.constant 0 : i32
      %dma_wait3A_340 = arith.constant 0 : i32
      %dma_wait3A_341 = tpu.memref_slice %arg3[%dma_wait3A_339, %dma_wait3A_340] : memref<100000x128xf32, #tpu.memory_space<hbm>> -> memref<100000x128xf32, #tpu.memory_space<hbm>>
      %dma_wait3A_342 = tpu.memref_slice %arg7[%dma_wait3A_331] : memref<5x!tpu.dma_semaphore, #tpu.memory_space<semaphore_mem>> -> memref<1x!tpu.dma_semaphore, #tpu.memory_space<semaphore_mem>>
      %dma_wait3A_343 = tpu.memref_squeeze %dma_wait3A_342 : memref<1x!tpu.dma_semaphore, #tpu.memory_space<semaphore_mem>> -> memref<!tpu.dma_semaphore, #tpu.memory_space<semaphore_mem>>
      tpu.wait_indirect_dma semaphore(%dma_wait3A_343 : memref<!tpu.dma_semaphore, #tpu.memory_space<semaphore_mem>>) src(%dma_wait3A_341 : memref<100000x128xf32, #tpu.memory_space<hbm>>) dst(%dma_wait3A_335 : memref<128x128xf32, #tpu.memory_space<vmem>>)
      %add3A_344 = arith.constant 0 : i32
      %add3A_345 = arith.addi %mul3A_328, %add3A_344 : i32
      %mul3A_346 = arith.constant 128 : i32
      %mul3A_347 = arith.muli %add3A_345, %mul3A_346 : i32
      %add3A_348 = arith.addi %mul3A_2, %mul3A_347 : i32
      %dma_start3A_349 = arith.constant 0 : i32
      %dma_start3A_350 = arith.constant 0 : i32
      %dma_start3A_351 = arith.constant 0 : i32
      %dma_start3A_352 = arith.constant 0 : i32
      %dma_start3A_353 = tpu.memref_slice %arg6[%dma_start3A_349, %dma_start3A_351, %dma_start3A_352] : memref<5x128x128xf32, #tpu.memory_space<vmem>> -> memref<1x128x128xf32, #tpu.memory_space<vmem>>
      %dma_start3A_354 = tpu.memref_squeeze %dma_start3A_353 : memref<1x128x128xf32, #tpu.memory_space<vmem>> -> memref<128x128xf32, #tpu.memory_space<vmem>>
      %dma_start3A_355 = arith.constant 0 : i32
      %dma_start3A_356 = tpu.memref_slice %arg4[%add3A_348, %dma_start3A_355] : memref<819200x128xf32, #tpu.memory_space<hbm>> -> memref<128x128xf32, #tpu.memory_space<hbm>>
      %dma_start3A_357 = tpu.memref_slice %arg8[%dma_start3A_350] : memref<5x!tpu.dma_semaphore, #tpu.memory_space<semaphore_mem>> -> memref<1x!tpu.dma_semaphore, #tpu.memory_space<semaphore_mem>>
      %dma_start3A_358 = tpu.memref_squeeze %dma_start3A_357 : memref<1x!tpu.dma_semaphore, #tpu.memory_space<semaphore_mem>> -> memref<!tpu.dma_semaphore, #tpu.memory_space<semaphore_mem>>
      %dma_start3A_359 = arith.constant 0 : i32
      %dma_start3A_360 = tpu.memref_slice %arg4[%add3A_348, %dma_start3A_359] : memref<819200x128xf32, #tpu.memory_space<hbm>> -> memref<128x128xf32, #tpu.memory_space<hbm>>
      %dma_start3A_361 = arith.constant 0 : i32
      %dma_start3A_362 = arith.constant 0 : i32
      %dma_start3A_363 = tpu.memref_slice %arg6[%dma_start3A_349, %dma_start3A_361, %dma_start3A_362] : memref<5x128x128xf32, #tpu.memory_space<vmem>> -> memref<1x128x128xf32, #tpu.memory_space<vmem>>
      %dma_start3A_364 = tpu.memref_squeeze %dma_start3A_363 : memref<1x128x128xf32, #tpu.memory_space<vmem>> -> memref<128x128xf32, #tpu.memory_space<vmem>>
      tpu.enqueue_dma source(%dma_start3A_364 : memref<128x128xf32, #tpu.memory_space<vmem>>) target(%dma_start3A_360 : memref<128x128xf32, #tpu.memory_space<hbm>>) target_semaphore(%dma_start3A_358 : memref<!tpu.dma_semaphore, #tpu.memory_space<semaphore_mem>>)
      %dma_wait3A_365 = arith.constant 0 : i32
      %dma_wait3A_366 = arith.constant 1 : i32
      %dma_wait3A_367 = arith.constant 1 : i32
      %dma_wait3A_368 = arith.constant 0 : i32
      %dma_wait3A_369 = arith.constant 0 : i32
      %dma_wait3A_370 = tpu.memref_slice %arg6[%dma_wait3A_366, %dma_wait3A_368, %dma_wait3A_369] : memref<5x128x128xf32, #tpu.memory_space<vmem>> -> memref<1x128x128xf32, #tpu.memory_space<vmem>>
      %dma_wait3A_371 = tpu.memref_squeeze %dma_wait3A_370 : memref<1x128x128xf32, #tpu.memory_space<vmem>> -> memref<128x128xf32, #tpu.memory_space<vmem>>
      %dma_wait3A_372 = arith.constant 0 : i32
      %dma_wait3A_373 = tpu.memref_slice %arg5[%dma_wait3A_365, %dma_wait3A_372] : memref<200x128xi32, #tpu.memory_space<vmem>> -> memref<1x128xi32, #tpu.memory_space<vmem>>
      %dma_wait3A_374 = tpu.memref_squeeze %dma_wait3A_373 : memref<1x128xi32, #tpu.memory_space<vmem>> -> memref<128xi32, #tpu.memory_space<vmem>>
      %dma_wait3A_375 = arith.constant 0 : i32
      %dma_wait3A_376 = arith.constant 0 : i32
      %dma_wait3A_377 = tpu.memref_slice %arg3[%dma_wait3A_375, %dma_wait3A_376] : memref<100000x128xf32, #tpu.memory_space<hbm>> -> memref<100000x128xf32, #tpu.memory_space<hbm>>
      %dma_wait3A_378 = tpu.memref_slice %arg7[%dma_wait3A_367] : memref<5x!tpu.dma_semaphore, #tpu.memory_space<semaphore_mem>> -> memref<1x!tpu.dma_semaphore, #tpu.memory_space<semaphore_mem>>
      %dma_wait3A_379 = tpu.memref_squeeze %dma_wait3A_378 : memref<1x!tpu.dma_semaphore, #tpu.memory_space<semaphore_mem>> -> memref<!tpu.dma_semaphore, #tpu.memory_space<semaphore_mem>>
      tpu.wait_indirect_dma semaphore(%dma_wait3A_379 : memref<!tpu.dma_semaphore, #tpu.memory_space<semaphore_mem>>) src(%dma_wait3A_377 : memref<100000x128xf32, #tpu.memory_space<hbm>>) dst(%dma_wait3A_371 : memref<128x128xf32, #tpu.memory_space<vmem>>)
      %add3A_380 = arith.constant 1 : i32
      %add3A_381 = arith.addi %mul3A_328, %add3A_380 : i32
      %mul3A_382 = arith.constant 128 : i32
      %mul3A_383 = arith.muli %add3A_381, %mul3A_382 : i32
      %add3A_384 = arith.addi %mul3A_2, %mul3A_383 : i32
      %dma_start3A_385 = arith.constant 1 : i32
      %dma_start3A_386 = arith.constant 1 : i32
      %dma_start3A_387 = arith.constant 0 : i32
      %dma_start3A_388 = arith.constant 0 : i32
      %dma_start3A_389 = tpu.memref_slice %arg6[%dma_start3A_385, %dma_start3A_387, %dma_start3A_388] : memref<5x128x128xf32, #tpu.memory_space<vmem>> -> memref<1x128x128xf32, #tpu.memory_space<vmem>>
      %dma_start3A_390 = tpu.memref_squeeze %dma_start3A_389 : memref<1x128x128xf32, #tpu.memory_space<vmem>> -> memref<128x128xf32, #tpu.memory_space<vmem>>
      %dma_start3A_391 = arith.constant 0 : i32
      %dma_start3A_392 = tpu.memref_slice %arg4[%add3A_384, %dma_start3A_391] : memref<819200x128xf32, #tpu.memory_space<hbm>> -> memref<128x128xf32, #tpu.memory_space<hbm>>
      %dma_start3A_393 = tpu.memref_slice %arg8[%dma_start3A_386] : memref<5x!tpu.dma_semaphore, #tpu.memory_space<semaphore_mem>> -> memref<1x!tpu.dma_semaphore, #tpu.memory_space<semaphore_mem>>
      %dma_start3A_394 = tpu.memref_squeeze %dma_start3A_393 : memref<1x!tpu.dma_semaphore, #tpu.memory_space<semaphore_mem>> -> memref<!tpu.dma_semaphore, #tpu.memory_space<semaphore_mem>>
      %dma_start3A_395 = arith.constant 0 : i32
      %dma_start3A_396 = tpu.memref_slice %arg4[%add3A_384, %dma_start3A_395] : memref<819200x128xf32, #tpu.memory_space<hbm>> -> memref<128x128xf32, #tpu.memory_space<hbm>>
      %dma_start3A_397 = arith.constant 0 : i32
      %dma_start3A_398 = arith.constant 0 : i32
      %dma_start3A_399 = tpu.memref_slice %arg6[%dma_start3A_385, %dma_start3A_397, %dma_start3A_398] : memref<5x128x128xf32, #tpu.memory_space<vmem>> -> memref<1x128x128xf32, #tpu.memory_space<vmem>>
      %dma_start3A_400 = tpu.memref_squeeze %dma_start3A_399 : memref<1x128x128xf32, #tpu.memory_space<vmem>> -> memref<128x128xf32, #tpu.memory_space<vmem>>
      tpu.enqueue_dma source(%dma_start3A_400 : memref<128x128xf32, #tpu.memory_space<vmem>>) target(%dma_start3A_396 : memref<128x128xf32, #tpu.memory_space<hbm>>) target_semaphore(%dma_start3A_394 : memref<!tpu.dma_semaphore, #tpu.memory_space<semaphore_mem>>)
      %dma_wait3A_401 = arith.constant 0 : i32
      %dma_wait3A_402 = arith.constant 2 : i32
      %dma_wait3A_403 = arith.constant 2 : i32
      %dma_wait3A_404 = arith.constant 0 : i32
      %dma_wait3A_405 = arith.constant 0 : i32
      %dma_wait3A_406 = tpu.memref_slice %arg6[%dma_wait3A_402, %dma_wait3A_404, %dma_wait3A_405] : memref<5x128x128xf32, #tpu.memory_space<vmem>> -> memref<1x128x128xf32, #tpu.memory_space<vmem>>
      %dma_wait3A_407 = tpu.memref_squeeze %dma_wait3A_406 : memref<1x128x128xf32, #tpu.memory_space<vmem>> -> memref<128x128xf32, #tpu.memory_space<vmem>>
      %dma_wait3A_408 = arith.constant 0 : i32
      %dma_wait3A_409 = tpu.memref_slice %arg5[%dma_wait3A_401, %dma_wait3A_408] : memref<200x128xi32, #tpu.memory_space<vmem>> -> memref<1x128xi32, #tpu.memory_space<vmem>>
      %dma_wait3A_410 = tpu.memref_squeeze %dma_wait3A_409 : memref<1x128xi32, #tpu.memory_space<vmem>> -> memref<128xi32, #tpu.memory_space<vmem>>
      %dma_wait3A_411 = arith.constant 0 : i32
      %dma_wait3A_412 = arith.constant 0 : i32
      %dma_wait3A_413 = tpu.memref_slice %arg3[%dma_wait3A_411, %dma_wait3A_412] : memref<100000x128xf32, #tpu.memory_space<hbm>> -> memref<100000x128xf32, #tpu.memory_space<hbm>>
      %dma_wait3A_414 = tpu.memref_slice %arg7[%dma_wait3A_403] : memref<5x!tpu.dma_semaphore, #tpu.memory_space<semaphore_mem>> -> memref<1x!tpu.dma_semaphore, #tpu.memory_space<semaphore_mem>>
      %dma_wait3A_415 = tpu.memref_squeeze %dma_wait3A_414 : memref<1x!tpu.dma_semaphore, #tpu.memory_space<semaphore_mem>> -> memref<!tpu.dma_semaphore, #tpu.memory_space<semaphore_mem>>
      tpu.wait_indirect_dma semaphore(%dma_wait3A_415 : memref<!tpu.dma_semaphore, #tpu.memory_space<semaphore_mem>>) src(%dma_wait3A_413 : memref<100000x128xf32, #tpu.memory_space<hbm>>) dst(%dma_wait3A_407 : memref<128x128xf32, #tpu.memory_space<vmem>>)
      %add3A_416 = arith.constant 2 : i32
      %add3A_417 = arith.addi %mul3A_328, %add3A_416 : i32
      %mul3A_418 = arith.constant 128 : i32
      %mul3A_419 = arith.muli %add3A_417, %mul3A_418 : i32
      %add3A_420 = arith.addi %mul3A_2, %mul3A_419 : i32
      %dma_start3A_421 = arith.constant 2 : i32
      %dma_start3A_422 = arith.constant 2 : i32
      %dma_start3A_423 = arith.constant 0 : i32
      %dma_start3A_424 = arith.constant 0 : i32
      %dma_start3A_425 = tpu.memref_slice %arg6[%dma_start3A_421, %dma_start3A_423, %dma_start3A_424] : memref<5x128x128xf32, #tpu.memory_space<vmem>> -> memref<1x128x128xf32, #tpu.memory_space<vmem>>
      %dma_start3A_426 = tpu.memref_squeeze %dma_start3A_425 : memref<1x128x128xf32, #tpu.memory_space<vmem>> -> memref<128x128xf32, #tpu.memory_space<vmem>>
      %dma_start3A_427 = arith.constant 0 : i32
      %dma_start3A_428 = tpu.memref_slice %arg4[%add3A_420, %dma_start3A_427] : memref<819200x128xf32, #tpu.memory_space<hbm>> -> memref<128x128xf32, #tpu.memory_space<hbm>>
      %dma_start3A_429 = tpu.memref_slice %arg8[%dma_start3A_422] : memref<5x!tpu.dma_semaphore, #tpu.memory_space<semaphore_mem>> -> memref<1x!tpu.dma_semaphore, #tpu.memory_space<semaphore_mem>>
      %dma_start3A_430 = tpu.memref_squeeze %dma_start3A_429 : memref<1x!tpu.dma_semaphore, #tpu.memory_space<semaphore_mem>> -> memref<!tpu.dma_semaphore, #tpu.memory_space<semaphore_mem>>
      %dma_start3A_431 = arith.constant 0 : i32
      %dma_start3A_432 = tpu.memref_slice %arg4[%add3A_420, %dma_start3A_431] : memref<819200x128xf32, #tpu.memory_space<hbm>> -> memref<128x128xf32, #tpu.memory_space<hbm>>
      %dma_start3A_433 = arith.constant 0 : i32
      %dma_start3A_434 = arith.constant 0 : i32
      %dma_start3A_435 = tpu.memref_slice %arg6[%dma_start3A_421, %dma_start3A_433, %dma_start3A_434] : memref<5x128x128xf32, #tpu.memory_space<vmem>> -> memref<1x128x128xf32, #tpu.memory_space<vmem>>
      %dma_start3A_436 = tpu.memref_squeeze %dma_start3A_435 : memref<1x128x128xf32, #tpu.memory_space<vmem>> -> memref<128x128xf32, #tpu.memory_space<vmem>>
      tpu.enqueue_dma source(%dma_start3A_436 : memref<128x128xf32, #tpu.memory_space<vmem>>) target(%dma_start3A_432 : memref<128x128xf32, #tpu.memory_space<hbm>>) target_semaphore(%dma_start3A_430 : memref<!tpu.dma_semaphore, #tpu.memory_space<semaphore_mem>>)
      %dma_wait3A_437 = arith.constant 0 : i32
      %dma_wait3A_438 = arith.constant 3 : i32
      %dma_wait3A_439 = arith.constant 3 : i32
      %dma_wait3A_440 = arith.constant 0 : i32
      %dma_wait3A_441 = arith.constant 0 : i32
      %dma_wait3A_442 = tpu.memref_slice %arg6[%dma_wait3A_438, %dma_wait3A_440, %dma_wait3A_441] : memref<5x128x128xf32, #tpu.memory_space<vmem>> -> memref<1x128x128xf32, #tpu.memory_space<vmem>>
      %dma_wait3A_443 = tpu.memref_squeeze %dma_wait3A_442 : memref<1x128x128xf32, #tpu.memory_space<vmem>> -> memref<128x128xf32, #tpu.memory_space<vmem>>
      %dma_wait3A_444 = arith.constant 0 : i32
      %dma_wait3A_445 = tpu.memref_slice %arg5[%dma_wait3A_437, %dma_wait3A_444] : memref<200x128xi32, #tpu.memory_space<vmem>> -> memref<1x128xi32, #tpu.memory_space<vmem>>
      %dma_wait3A_446 = tpu.memref_squeeze %dma_wait3A_445 : memref<1x128xi32, #tpu.memory_space<vmem>> -> memref<128xi32, #tpu.memory_space<vmem>>
      %dma_wait3A_447 = arith.constant 0 : i32
      %dma_wait3A_448 = arith.constant 0 : i32
      %dma_wait3A_449 = tpu.memref_slice %arg3[%dma_wait3A_447, %dma_wait3A_448] : memref<100000x128xf32, #tpu.memory_space<hbm>> -> memref<100000x128xf32, #tpu.memory_space<hbm>>
      %dma_wait3A_450 = tpu.memref_slice %arg7[%dma_wait3A_439] : memref<5x!tpu.dma_semaphore, #tpu.memory_space<semaphore_mem>> -> memref<1x!tpu.dma_semaphore, #tpu.memory_space<semaphore_mem>>
      %dma_wait3A_451 = tpu.memref_squeeze %dma_wait3A_450 : memref<1x!tpu.dma_semaphore, #tpu.memory_space<semaphore_mem>> -> memref<!tpu.dma_semaphore, #tpu.memory_space<semaphore_mem>>
      tpu.wait_indirect_dma semaphore(%dma_wait3A_451 : memref<!tpu.dma_semaphore, #tpu.memory_space<semaphore_mem>>) src(%dma_wait3A_449 : memref<100000x128xf32, #tpu.memory_space<hbm>>) dst(%dma_wait3A_443 : memref<128x128xf32, #tpu.memory_space<vmem>>)
      %add3A_452 = arith.constant 3 : i32
      %add3A_453 = arith.addi %mul3A_328, %add3A_452 : i32
      %mul3A_454 = arith.constant 128 : i32
      %mul3A_455 = arith.muli %add3A_453, %mul3A_454 : i32
      %add3A_456 = arith.addi %mul3A_2, %mul3A_455 : i32
      %dma_start3A_457 = arith.constant 3 : i32
      %dma_start3A_458 = arith.constant 3 : i32
      %dma_start3A_459 = arith.constant 0 : i32
      %dma_start3A_460 = arith.constant 0 : i32
      %dma_start3A_461 = tpu.memref_slice %arg6[%dma_start3A_457, %dma_start3A_459, %dma_start3A_460] : memref<5x128x128xf32, #tpu.memory_space<vmem>> -> memref<1x128x128xf32, #tpu.memory_space<vmem>>
      %dma_start3A_462 = tpu.memref_squeeze %dma_start3A_461 : memref<1x128x128xf32, #tpu.memory_space<vmem>> -> memref<128x128xf32, #tpu.memory_space<vmem>>
      %dma_start3A_463 = arith.constant 0 : i32
      %dma_start3A_464 = tpu.memref_slice %arg4[%add3A_456, %dma_start3A_463] : memref<819200x128xf32, #tpu.memory_space<hbm>> -> memref<128x128xf32, #tpu.memory_space<hbm>>
      %dma_start3A_465 = tpu.memref_slice %arg8[%dma_start3A_458] : memref<5x!tpu.dma_semaphore, #tpu.memory_space<semaphore_mem>> -> memref<1x!tpu.dma_semaphore, #tpu.memory_space<semaphore_mem>>
      %dma_start3A_466 = tpu.memref_squeeze %dma_start3A_465 : memref<1x!tpu.dma_semaphore, #tpu.memory_space<semaphore_mem>> -> memref<!tpu.dma_semaphore, #tpu.memory_space<semaphore_mem>>
      %dma_start3A_467 = arith.constant 0 : i32
      %dma_start3A_468 = tpu.memref_slice %arg4[%add3A_456, %dma_start3A_467] : memref<819200x128xf32, #tpu.memory_space<hbm>> -> memref<128x128xf32, #tpu.memory_space<hbm>>
      %dma_start3A_469 = arith.constant 0 : i32
      %dma_start3A_470 = arith.constant 0 : i32
      %dma_start3A_471 = tpu.memref_slice %arg6[%dma_start3A_457, %dma_start3A_469, %dma_start3A_470] : memref<5x128x128xf32, #tpu.memory_space<vmem>> -> memref<1x128x128xf32, #tpu.memory_space<vmem>>
      %dma_start3A_472 = tpu.memref_squeeze %dma_start3A_471 : memref<1x128x128xf32, #tpu.memory_space<vmem>> -> memref<128x128xf32, #tpu.memory_space<vmem>>
      tpu.enqueue_dma source(%dma_start3A_472 : memref<128x128xf32, #tpu.memory_space<vmem>>) target(%dma_start3A_468 : memref<128x128xf32, #tpu.memory_space<hbm>>) target_semaphore(%dma_start3A_466 : memref<!tpu.dma_semaphore, #tpu.memory_space<semaphore_mem>>)
      %dma_wait3A_473 = arith.constant 0 : i32
      %dma_wait3A_474 = arith.constant 4 : i32
      %dma_wait3A_475 = arith.constant 4 : i32
      %dma_wait3A_476 = arith.constant 0 : i32
      %dma_wait3A_477 = arith.constant 0 : i32
      %dma_wait3A_478 = tpu.memref_slice %arg6[%dma_wait3A_474, %dma_wait3A_476, %dma_wait3A_477] : memref<5x128x128xf32, #tpu.memory_space<vmem>> -> memref<1x128x128xf32, #tpu.memory_space<vmem>>
      %dma_wait3A_479 = tpu.memref_squeeze %dma_wait3A_478 : memref<1x128x128xf32, #tpu.memory_space<vmem>> -> memref<128x128xf32, #tpu.memory_space<vmem>>
      %dma_wait3A_480 = arith.constant 0 : i32
      %dma_wait3A_481 = tpu.memref_slice %arg5[%dma_wait3A_473, %dma_wait3A_480] : memref<200x128xi32, #tpu.memory_space<vmem>> -> memref<1x128xi32, #tpu.memory_space<vmem>>
      %dma_wait3A_482 = tpu.memref_squeeze %dma_wait3A_481 : memref<1x128xi32, #tpu.memory_space<vmem>> -> memref<128xi32, #tpu.memory_space<vmem>>
      %dma_wait3A_483 = arith.constant 0 : i32
      %dma_wait3A_484 = arith.constant 0 : i32
      %dma_wait3A_485 = tpu.memref_slice %arg3[%dma_wait3A_483, %dma_wait3A_484] : memref<100000x128xf32, #tpu.memory_space<hbm>> -> memref<100000x128xf32, #tpu.memory_space<hbm>>
      %dma_wait3A_486 = tpu.memref_slice %arg7[%dma_wait3A_475] : memref<5x!tpu.dma_semaphore, #tpu.memory_space<semaphore_mem>> -> memref<1x!tpu.dma_semaphore, #tpu.memory_space<semaphore_mem>>
      %dma_wait3A_487 = tpu.memref_squeeze %dma_wait3A_486 : memref<1x!tpu.dma_semaphore, #tpu.memory_space<semaphore_mem>> -> memref<!tpu.dma_semaphore, #tpu.memory_space<semaphore_mem>>
      tpu.wait_indirect_dma semaphore(%dma_wait3A_487 : memref<!tpu.dma_semaphore, #tpu.memory_space<semaphore_mem>>) src(%dma_wait3A_485 : memref<100000x128xf32, #tpu.memory_space<hbm>>) dst(%dma_wait3A_479 : memref<128x128xf32, #tpu.memory_space<vmem>>)
      %add3A_488 = arith.constant 4 : i32
      %add3A_489 = arith.addi %mul3A_328, %add3A_488 : i32
      %mul3A_490 = arith.constant 128 : i32
      %mul3A_491 = arith.muli %add3A_489, %mul3A_490 : i32
      %add3A_492 = arith.addi %mul3A_2, %mul3A_491 : i32
      %dma_start3A_493 = arith.constant 4 : i32
      %dma_start3A_494 = arith.constant 4 : i32
      %dma_start3A_495 = arith.constant 0 : i32
      %dma_start3A_496 = arith.constant 0 : i32
      %dma_start3A_497 = tpu.memref_slice %arg6[%dma_start3A_493, %dma_start3A_495, %dma_start3A_496] : memref<5x128x128xf32, #tpu.memory_space<vmem>> -> memref<1x128x128xf32, #tpu.memory_space<vmem>>
      %dma_start3A_498 = tpu.memref_squeeze %dma_start3A_497 : memref<1x128x128xf32, #tpu.memory_space<vmem>> -> memref<128x128xf32, #tpu.memory_space<vmem>>
      %dma_start3A_499 = arith.constant 0 : i32
      %dma_start3A_500 = tpu.memref_slice %arg4[%add3A_492, %dma_start3A_499] : memref<819200x128xf32, #tpu.memory_space<hbm>> -> memref<128x128xf32, #tpu.memory_space<hbm>>
      %dma_start3A_501 = tpu.memref_slice %arg8[%dma_start3A_494] : memref<5x!tpu.dma_semaphore, #tpu.memory_space<semaphore_mem>> -> memref<1x!tpu.dma_semaphore, #tpu.memory_space<semaphore_mem>>
      %dma_start3A_502 = tpu.memref_squeeze %dma_start3A_501 : memref<1x!tpu.dma_semaphore, #tpu.memory_space<semaphore_mem>> -> memref<!tpu.dma_semaphore, #tpu.memory_space<semaphore_mem>>
      %dma_start3A_503 = arith.constant 0 : i32
      %dma_start3A_504 = tpu.memref_slice %arg4[%add3A_492, %dma_start3A_503] : memref<819200x128xf32, #tpu.memory_space<hbm>> -> memref<128x128xf32, #tpu.memory_space<hbm>>
      %dma_start3A_505 = arith.constant 0 : i32
      %dma_start3A_506 = arith.constant 0 : i32
      %dma_start3A_507 = tpu.memref_slice %arg6[%dma_start3A_493, %dma_start3A_505, %dma_start3A_506] : memref<5x128x128xf32, #tpu.memory_space<vmem>> -> memref<1x128x128xf32, #tpu.memory_space<vmem>>
      %dma_start3A_508 = tpu.memref_squeeze %dma_start3A_507 : memref<1x128x128xf32, #tpu.memory_space<vmem>> -> memref<128x128xf32, #tpu.memory_space<vmem>>
      tpu.enqueue_dma source(%dma_start3A_508 : memref<128x128xf32, #tpu.memory_space<vmem>>) target(%dma_start3A_504 : memref<128x128xf32, #tpu.memory_space<hbm>>) target_semaphore(%dma_start3A_502 : memref<!tpu.dma_semaphore, #tpu.memory_space<semaphore_mem>>)
      %dma_wait3A_509 = arith.constant 0 : i32
      %dma_wait3A_510 = arith.constant 0 : i32
      %dma_wait3A_511 = arith.constant 0 : i32
      %dma_wait3A_512 = arith.constant 0 : i32
      %dma_wait3A_513 = tpu.memref_slice %arg6[%dma_wait3A_509, %dma_wait3A_511, %dma_wait3A_512] : memref<5x128x128xf32, #tpu.memory_space<vmem>> -> memref<1x128x128xf32, #tpu.memory_space<vmem>>
      %dma_wait3A_514 = tpu.memref_squeeze %dma_wait3A_513 : memref<1x128x128xf32, #tpu.memory_space<vmem>> -> memref<128x128xf32, #tpu.memory_space<vmem>>
      %dma_wait3A_515 = arith.constant 0 : i32
      %dma_wait3A_516 = tpu.memref_slice %arg4[%mul3A_2, %dma_wait3A_515] : memref<819200x128xf32, #tpu.memory_space<hbm>> -> memref<128x128xf32, #tpu.memory_space<hbm>>
      %dma_wait3A_517 = tpu.memref_slice %arg8[%dma_wait3A_510] : memref<5x!tpu.dma_semaphore, #tpu.memory_space<semaphore_mem>> -> memref<1x!tpu.dma_semaphore, #tpu.memory_space<semaphore_mem>>
      %dma_wait3A_518 = tpu.memref_squeeze %dma_wait3A_517 : memref<1x!tpu.dma_semaphore, #tpu.memory_space<semaphore_mem>> -> memref<!tpu.dma_semaphore, #tpu.memory_space<semaphore_mem>>
      %dma_wait3A_519 = arith.constant 0 : i32
      %dma_wait3A_520 = tpu.memref_slice %arg4[%mul3A_2, %dma_wait3A_519] : memref<819200x128xf32, #tpu.memory_space<hbm>> -> memref<128x128xf32, #tpu.memory_space<hbm>>
      %dma_wait3A_521 = arith.constant 0 : i32
      %dma_wait3A_522 = arith.constant 0 : i32
      %dma_wait3A_523 = tpu.memref_slice %arg6[%dma_wait3A_509, %dma_wait3A_521, %dma_wait3A_522] : memref<5x128x128xf32, #tpu.memory_space<vmem>> -> memref<1x128x128xf32, #tpu.memory_space<vmem>>
      %dma_wait3A_524 = tpu.memref_squeeze %dma_wait3A_523 : memref<1x128x128xf32, #tpu.memory_space<vmem>> -> memref<128x128xf32, #tpu.memory_space<vmem>>
      tpu.wait_dma2 semaphore(%dma_wait3A_518 : memref<!tpu.dma_semaphore, #tpu.memory_space<semaphore_mem>>) src(%dma_wait3A_524 : memref<128x128xf32, #tpu.memory_space<vmem>>) dst(%dma_wait3A_520 : memref<128x128xf32, #tpu.memory_space<hbm>>)
      %add3A_525 = arith.constant 5 : i32
      %add3A_526 = arith.addi %mul3A_328, %add3A_525 : i32
      %add3A_527 = arith.constant 0 : i32
      %add3A_528 = arith.addi %add3A_526, %add3A_527 : i32
      %dma_start3A_529 = arith.constant 0 : i32
      %dma_start3A_530 = arith.constant 0 : i32
      %dma_start3A_531 = arith.constant 0 : i32
      %dma_start3A_532 = arith.constant 0 : i32
      %dma_start3A_533 = tpu.memref_slice %arg6[%dma_start3A_529, %dma_start3A_531, %dma_start3A_532] : memref<5x128x128xf32, #tpu.memory_space<vmem>> -> memref<1x128x128xf32, #tpu.memory_space<vmem>>
      %dma_start3A_534 = tpu.memref_squeeze %dma_start3A_533 : memref<1x128x128xf32, #tpu.memory_space<vmem>> -> memref<128x128xf32, #tpu.memory_space<vmem>>
      %dma_start3A_535 = arith.constant 0 : i32
      %dma_start3A_536 = tpu.memref_slice %arg5[%add3A_528, %dma_start3A_535] : memref<200x128xi32, #tpu.memory_space<vmem>> -> memref<1x128xi32, #tpu.memory_space<vmem>>
      %dma_start3A_537 = tpu.memref_squeeze %dma_start3A_536 : memref<1x128xi32, #tpu.memory_space<vmem>> -> memref<128xi32, #tpu.memory_space<vmem>>
      %dma_start3A_538 = arith.constant 0 : i32
      %dma_start3A_539 = arith.constant 0 : i32
      %dma_start3A_540 = tpu.memref_slice %arg3[%dma_start3A_538, %dma_start3A_539] : memref<100000x128xf32, #tpu.memory_space<hbm>> -> memref<100000x128xf32, #tpu.memory_space<hbm>>
      %dma_start3A_541 = tpu.memref_slice %arg7[%dma_start3A_530] : memref<5x!tpu.dma_semaphore, #tpu.memory_space<semaphore_mem>> -> memref<1x!tpu.dma_semaphore, #tpu.memory_space<semaphore_mem>>
      %dma_start3A_542 = tpu.memref_squeeze %dma_start3A_541 : memref<1x!tpu.dma_semaphore, #tpu.memory_space<semaphore_mem>> -> memref<!tpu.dma_semaphore, #tpu.memory_space<semaphore_mem>>
      tpu.enqueue_indirect_dma source(%dma_start3A_540 : memref<100000x128xf32, #tpu.memory_space<hbm>>) target(%dma_start3A_534 : memref<128x128xf32, #tpu.memory_space<vmem>>) offsets(%dma_start3A_537 : memref<128xi32, #tpu.memory_space<vmem>>) semaphore(%dma_start3A_542 : memref<!tpu.dma_semaphore, #tpu.memory_space<semaphore_mem>>)
      %dma_wait3A_543 = arith.constant 1 : i32
      %dma_wait3A_544 = arith.constant 1 : i32
      %dma_wait3A_545 = arith.constant 0 : i32
      %dma_wait3A_546 = arith.constant 0 : i32
      %dma_wait3A_547 = tpu.memref_slice %arg6[%dma_wait3A_543, %dma_wait3A_545, %dma_wait3A_546] : memref<5x128x128xf32, #tpu.memory_space<vmem>> -> memref<1x128x128xf32, #tpu.memory_space<vmem>>
      %dma_wait3A_548 = tpu.memref_squeeze %dma_wait3A_547 : memref<1x128x128xf32, #tpu.memory_space<vmem>> -> memref<128x128xf32, #tpu.memory_space<vmem>>
      %dma_wait3A_549 = arith.constant 0 : i32
      %dma_wait3A_550 = tpu.memref_slice %arg4[%mul3A_2, %dma_wait3A_549] : memref<819200x128xf32, #tpu.memory_space<hbm>> -> memref<128x128xf32, #tpu.memory_space<hbm>>
      %dma_wait3A_551 = tpu.memref_slice %arg8[%dma_wait3A_544] : memref<5x!tpu.dma_semaphore, #tpu.memory_space<semaphore_mem>> -> memref<1x!tpu.dma_semaphore, #tpu.memory_space<semaphore_mem>>
      %dma_wait3A_552 = tpu.memref_squeeze %dma_wait3A_551 : memref<1x!tpu.dma_semaphore, #tpu.memory_space<semaphore_mem>> -> memref<!tpu.dma_semaphore, #tpu.memory_space<semaphore_mem>>
      %dma_wait3A_553 = arith.constant 0 : i32
      %dma_wait3A_554 = tpu.memref_slice %arg4[%mul3A_2, %dma_wait3A_553] : memref<819200x128xf32, #tpu.memory_space<hbm>> -> memref<128x128xf32, #tpu.memory_space<hbm>>
      %dma_wait3A_555 = arith.constant 0 : i32
      %dma_wait3A_556 = arith.constant 0 : i32
      %dma_wait3A_557 = tpu.memref_slice %arg6[%dma_wait3A_543, %dma_wait3A_555, %dma_wait3A_556] : memref<5x128x128xf32, #tpu.memory_space<vmem>> -> memref<1x128x128xf32, #tpu.memory_space<vmem>>
      %dma_wait3A_558 = tpu.memref_squeeze %dma_wait3A_557 : memref<1x128x128xf32, #tpu.memory_space<vmem>> -> memref<128x128xf32, #tpu.memory_space<vmem>>
      tpu.wait_dma2 semaphore(%dma_wait3A_552 : memref<!tpu.dma_semaphore, #tpu.memory_space<semaphore_mem>>) src(%dma_wait3A_558 : memref<128x128xf32, #tpu.memory_space<vmem>>) dst(%dma_wait3A_554 : memref<128x128xf32, #tpu.memory_space<hbm>>)
      %add3A_559 = arith.constant 5 : i32
      %add3A_560 = arith.addi %mul3A_328, %add3A_559 : i32
      %add3A_561 = arith.constant 1 : i32
      %add3A_562 = arith.addi %add3A_560, %add3A_561 : i32
      %dma_start3A_563 = arith.constant 1 : i32
      %dma_start3A_564 = arith.constant 1 : i32
      %dma_start3A_565 = arith.constant 0 : i32
      %dma_start3A_566 = arith.constant 0 : i32
      %dma_start3A_567 = tpu.memref_slice %arg6[%dma_start3A_563, %dma_start3A_565, %dma_start3A_566] : memref<5x128x128xf32, #tpu.memory_space<vmem>> -> memref<1x128x128xf32, #tpu.memory_space<vmem>>
      %dma_start3A_568 = tpu.memref_squeeze %dma_start3A_567 : memref<1x128x128xf32, #tpu.memory_space<vmem>> -> memref<128x128xf32, #tpu.memory_space<vmem>>
      %dma_start3A_569 = arith.constant 0 : i32
      %dma_start3A_570 = tpu.memref_slice %arg5[%add3A_562, %dma_start3A_569] : memref<200x128xi32, #tpu.memory_space<vmem>> -> memref<1x128xi32, #tpu.memory_space<vmem>>
      %dma_start3A_571 = tpu.memref_squeeze %dma_start3A_570 : memref<1x128xi32, #tpu.memory_space<vmem>> -> memref<128xi32, #tpu.memory_space<vmem>>
      %dma_start3A_572 = arith.constant 0 : i32
      %dma_start3A_573 = arith.constant 0 : i32
      %dma_start3A_574 = tpu.memref_slice %arg3[%dma_start3A_572, %dma_start3A_573] : memref<100000x128xf32, #tpu.memory_space<hbm>> -> memref<100000x128xf32, #tpu.memory_space<hbm>>
      %dma_start3A_575 = tpu.memref_slice %arg7[%dma_start3A_564] : memref<5x!tpu.dma_semaphore, #tpu.memory_space<semaphore_mem>> -> memref<1x!tpu.dma_semaphore, #tpu.memory_space<semaphore_mem>>
      %dma_start3A_576 = tpu.memref_squeeze %dma_start3A_575 : memref<1x!tpu.dma_semaphore, #tpu.memory_space<semaphore_mem>> -> memref<!tpu.dma_semaphore, #tpu.memory_space<semaphore_mem>>
      tpu.enqueue_indirect_dma source(%dma_start3A_574 : memref<100000x128xf32, #tpu.memory_space<hbm>>) target(%dma_start3A_568 : memref<128x128xf32, #tpu.memory_space<vmem>>) offsets(%dma_start3A_571 : memref<128xi32, #tpu.memory_space<vmem>>) semaphore(%dma_start3A_576 : memref<!tpu.dma_semaphore, #tpu.memory_space<semaphore_mem>>)
      %dma_wait3A_577 = arith.constant 2 : i32
      %dma_wait3A_578 = arith.constant 2 : i32
      %dma_wait3A_579 = arith.constant 0 : i32
      %dma_wait3A_580 = arith.constant 0 : i32
      %dma_wait3A_581 = tpu.memref_slice %arg6[%dma_wait3A_577, %dma_wait3A_579, %dma_wait3A_580] : memref<5x128x128xf32, #tpu.memory_space<vmem>> -> memref<1x128x128xf32, #tpu.memory_space<vmem>>
      %dma_wait3A_582 = tpu.memref_squeeze %dma_wait3A_581 : memref<1x128x128xf32, #tpu.memory_space<vmem>> -> memref<128x128xf32, #tpu.memory_space<vmem>>
      %dma_wait3A_583 = arith.constant 0 : i32
      %dma_wait3A_584 = tpu.memref_slice %arg4[%mul3A_2, %dma_wait3A_583] : memref<819200x128xf32, #tpu.memory_space<hbm>> -> memref<128x128xf32, #tpu.memory_space<hbm>>
      %dma_wait3A_585 = tpu.memref_slice %arg8[%dma_wait3A_578] : memref<5x!tpu.dma_semaphore, #tpu.memory_space<semaphore_mem>> -> memref<1x!tpu.dma_semaphore, #tpu.memory_space<semaphore_mem>>
      %dma_wait3A_586 = tpu.memref_squeeze %dma_wait3A_585 : memref<1x!tpu.dma_semaphore, #tpu.memory_space<semaphore_mem>> -> memref<!tpu.dma_semaphore, #tpu.memory_space<semaphore_mem>>
      %dma_wait3A_587 = arith.constant 0 : i32
      %dma_wait3A_588 = tpu.memref_slice %arg4[%mul3A_2, %dma_wait3A_587] : memref<819200x128xf32, #tpu.memory_space<hbm>> -> memref<128x128xf32, #tpu.memory_space<hbm>>
      %dma_wait3A_589 = arith.constant 0 : i32
      %dma_wait3A_590 = arith.constant 0 : i32
      %dma_wait3A_591 = tpu.memref_slice %arg6[%dma_wait3A_577, %dma_wait3A_589, %dma_wait3A_590] : memref<5x128x128xf32, #tpu.memory_space<vmem>> -> memref<1x128x128xf32, #tpu.memory_space<vmem>>
      %dma_wait3A_592 = tpu.memref_squeeze %dma_wait3A_591 : memref<1x128x128xf32, #tpu.memory_space<vmem>> -> memref<128x128xf32, #tpu.memory_space<vmem>>
      tpu.wait_dma2 semaphore(%dma_wait3A_586 : memref<!tpu.dma_semaphore, #tpu.memory_space<semaphore_mem>>) src(%dma_wait3A_592 : memref<128x128xf32, #tpu.memory_space<vmem>>) dst(%dma_wait3A_588 : memref<128x128xf32, #tpu.memory_space<hbm>>)
      %add3A_593 = arith.constant 5 : i32
      %add3A_594 = arith.addi %mul3A_328, %add3A_593 : i32
      %add3A_595 = arith.constant 2 : i32
      %add3A_596 = arith.addi %add3A_594, %add3A_595 : i32
      %dma_start3A_597 = arith.constant 2 : i32
      %dma_start3A_598 = arith.constant 2 : i32
      %dma_start3A_599 = arith.constant 0 : i32
      %dma_start3A_600 = arith.constant 0 : i32
      %dma_start3A_601 = tpu.memref_slice %arg6[%dma_start3A_597, %dma_start3A_599, %dma_start3A_600] : memref<5x128x128xf32, #tpu.memory_space<vmem>> -> memref<1x128x128xf32, #tpu.memory_space<vmem>>
      %dma_start3A_602 = tpu.memref_squeeze %dma_start3A_601 : memref<1x128x128xf32, #tpu.memory_space<vmem>> -> memref<128x128xf32, #tpu.memory_space<vmem>>
      %dma_start3A_603 = arith.constant 0 : i32
      %dma_start3A_604 = tpu.memref_slice %arg5[%add3A_596, %dma_start3A_603] : memref<200x128xi32, #tpu.memory_space<vmem>> -> memref<1x128xi32, #tpu.memory_space<vmem>>
      %dma_start3A_605 = tpu.memref_squeeze %dma_start3A_604 : memref<1x128xi32, #tpu.memory_space<vmem>> -> memref<128xi32, #tpu.memory_space<vmem>>
      %dma_start3A_606 = arith.constant 0 : i32
      %dma_start3A_607 = arith.constant 0 : i32
      %dma_start3A_608 = tpu.memref_slice %arg3[%dma_start3A_606, %dma_start3A_607] : memref<100000x128xf32, #tpu.memory_space<hbm>> -> memref<100000x128xf32, #tpu.memory_space<hbm>>
      %dma_start3A_609 = tpu.memref_slice %arg7[%dma_start3A_598] : memref<5x!tpu.dma_semaphore, #tpu.memory_space<semaphore_mem>> -> memref<1x!tpu.dma_semaphore, #tpu.memory_space<semaphore_mem>>
      %dma_start3A_610 = tpu.memref_squeeze %dma_start3A_609 : memref<1x!tpu.dma_semaphore, #tpu.memory_space<semaphore_mem>> -> memref<!tpu.dma_semaphore, #tpu.memory_space<semaphore_mem>>
      tpu.enqueue_indirect_dma source(%dma_start3A_608 : memref<100000x128xf32, #tpu.memory_space<hbm>>) target(%dma_start3A_602 : memref<128x128xf32, #tpu.memory_space<vmem>>) offsets(%dma_start3A_605 : memref<128xi32, #tpu.memory_space<vmem>>) semaphore(%dma_start3A_610 : memref<!tpu.dma_semaphore, #tpu.memory_space<semaphore_mem>>)
      %dma_wait3A_611 = arith.constant 3 : i32
      %dma_wait3A_612 = arith.constant 3 : i32
      %dma_wait3A_613 = arith.constant 0 : i32
      %dma_wait3A_614 = arith.constant 0 : i32
      %dma_wait3A_615 = tpu.memref_slice %arg6[%dma_wait3A_611, %dma_wait3A_613, %dma_wait3A_614] : memref<5x128x128xf32, #tpu.memory_space<vmem>> -> memref<1x128x128xf32, #tpu.memory_space<vmem>>
      %dma_wait3A_616 = tpu.memref_squeeze %dma_wait3A_615 : memref<1x128x128xf32, #tpu.memory_space<vmem>> -> memref<128x128xf32, #tpu.memory_space<vmem>>
      %dma_wait3A_617 = arith.constant 0 : i32
      %dma_wait3A_618 = tpu.memref_slice %arg4[%mul3A_2, %dma_wait3A_617] : memref<819200x128xf32, #tpu.memory_space<hbm>> -> memref<128x128xf32, #tpu.memory_space<hbm>>
      %dma_wait3A_619 = tpu.memref_slice %arg8[%dma_wait3A_612] : memref<5x!tpu.dma_semaphore, #tpu.memory_space<semaphore_mem>> -> memref<1x!tpu.dma_semaphore, #tpu.memory_space<semaphore_mem>>
      %dma_wait3A_620 = tpu.memref_squeeze %dma_wait3A_619 : memref<1x!tpu.dma_semaphore, #tpu.memory_space<semaphore_mem>> -> memref<!tpu.dma_semaphore, #tpu.memory_space<semaphore_mem>>
      %dma_wait3A_621 = arith.constant 0 : i32
      %dma_wait3A_622 = tpu.memref_slice %arg4[%mul3A_2, %dma_wait3A_621] : memref<819200x128xf32, #tpu.memory_space<hbm>> -> memref<128x128xf32, #tpu.memory_space<hbm>>
      %dma_wait3A_623 = arith.constant 0 : i32
      %dma_wait3A_624 = arith.constant 0 : i32
      %dma_wait3A_625 = tpu.memref_slice %arg6[%dma_wait3A_611, %dma_wait3A_623, %dma_wait3A_624] : memref<5x128x128xf32, #tpu.memory_space<vmem>> -> memref<1x128x128xf32, #tpu.memory_space<vmem>>
      %dma_wait3A_626 = tpu.memref_squeeze %dma_wait3A_625 : memref<1x128x128xf32, #tpu.memory_space<vmem>> -> memref<128x128xf32, #tpu.memory_space<vmem>>
      tpu.wait_dma2 semaphore(%dma_wait3A_620 : memref<!tpu.dma_semaphore, #tpu.memory_space<semaphore_mem>>) src(%dma_wait3A_626 : memref<128x128xf32, #tpu.memory_space<vmem>>) dst(%dma_wait3A_622 : memref<128x128xf32, #tpu.memory_space<hbm>>)
      %add3A_627 = arith.constant 5 : i32
      %add3A_628 = arith.addi %mul3A_328, %add3A_627 : i32
      %add3A_629 = arith.constant 3 : i32
      %add3A_630 = arith.addi %add3A_628, %add3A_629 : i32
      %dma_start3A_631 = arith.constant 3 : i32
      %dma_start3A_632 = arith.constant 3 : i32
      %dma_start3A_633 = arith.constant 0 : i32
      %dma_start3A_634 = arith.constant 0 : i32
      %dma_start3A_635 = tpu.memref_slice %arg6[%dma_start3A_631, %dma_start3A_633, %dma_start3A_634] : memref<5x128x128xf32, #tpu.memory_space<vmem>> -> memref<1x128x128xf32, #tpu.memory_space<vmem>>
      %dma_start3A_636 = tpu.memref_squeeze %dma_start3A_635 : memref<1x128x128xf32, #tpu.memory_space<vmem>> -> memref<128x128xf32, #tpu.memory_space<vmem>>
      %dma_start3A_637 = arith.constant 0 : i32
      %dma_start3A_638 = tpu.memref_slice %arg5[%add3A_630, %dma_start3A_637] : memref<200x128xi32, #tpu.memory_space<vmem>> -> memref<1x128xi32, #tpu.memory_space<vmem>>
      %dma_start3A_639 = tpu.memref_squeeze %dma_start3A_638 : memref<1x128xi32, #tpu.memory_space<vmem>> -> memref<128xi32, #tpu.memory_space<vmem>>
      %dma_start3A_640 = arith.constant 0 : i32
      %dma_start3A_641 = arith.constant 0 : i32
      %dma_start3A_642 = tpu.memref_slice %arg3[%dma_start3A_640, %dma_start3A_641] : memref<100000x128xf32, #tpu.memory_space<hbm>> -> memref<100000x128xf32, #tpu.memory_space<hbm>>
      %dma_start3A_643 = tpu.memref_slice %arg7[%dma_start3A_632] : memref<5x!tpu.dma_semaphore, #tpu.memory_space<semaphore_mem>> -> memref<1x!tpu.dma_semaphore, #tpu.memory_space<semaphore_mem>>
      %dma_start3A_644 = tpu.memref_squeeze %dma_start3A_643 : memref<1x!tpu.dma_semaphore, #tpu.memory_space<semaphore_mem>> -> memref<!tpu.dma_semaphore, #tpu.memory_space<semaphore_mem>>
      tpu.enqueue_indirect_dma source(%dma_start3A_642 : memref<100000x128xf32, #tpu.memory_space<hbm>>) target(%dma_start3A_636 : memref<128x128xf32, #tpu.memory_space<vmem>>) offsets(%dma_start3A_639 : memref<128xi32, #tpu.memory_space<vmem>>) semaphore(%dma_start3A_644 : memref<!tpu.dma_semaphore, #tpu.memory_space<semaphore_mem>>)
      %dma_wait3A_645 = arith.constant 4 : i32
      %dma_wait3A_646 = arith.constant 4 : i32
      %dma_wait3A_647 = arith.constant 0 : i32
      %dma_wait3A_648 = arith.constant 0 : i32
      %dma_wait3A_649 = tpu.memref_slice %arg6[%dma_wait3A_645, %dma_wait3A_647, %dma_wait3A_648] : memref<5x128x128xf32, #tpu.memory_space<vmem>> -> memref<1x128x128xf32, #tpu.memory_space<vmem>>
      %dma_wait3A_650 = tpu.memref_squeeze %dma_wait3A_649 : memref<1x128x128xf32, #tpu.memory_space<vmem>> -> memref<128x128xf32, #tpu.memory_space<vmem>>
      %dma_wait3A_651 = arith.constant 0 : i32
      %dma_wait3A_652 = tpu.memref_slice %arg4[%mul3A_2, %dma_wait3A_651] : memref<819200x128xf32, #tpu.memory_space<hbm>> -> memref<128x128xf32, #tpu.memory_space<hbm>>
      %dma_wait3A_653 = tpu.memref_slice %arg8[%dma_wait3A_646] : memref<5x!tpu.dma_semaphore, #tpu.memory_space<semaphore_mem>> -> memref<1x!tpu.dma_semaphore, #tpu.memory_space<semaphore_mem>>
      %dma_wait3A_654 = tpu.memref_squeeze %dma_wait3A_653 : memref<1x!tpu.dma_semaphore, #tpu.memory_space<semaphore_mem>> -> memref<!tpu.dma_semaphore, #tpu.memory_space<semaphore_mem>>
      %dma_wait3A_655 = arith.constant 0 : i32
      %dma_wait3A_656 = tpu.memref_slice %arg4[%mul3A_2, %dma_wait3A_655] : memref<819200x128xf32, #tpu.memory_space<hbm>> -> memref<128x128xf32, #tpu.memory_space<hbm>>
      %dma_wait3A_657 = arith.constant 0 : i32
      %dma_wait3A_658 = arith.constant 0 : i32
      %dma_wait3A_659 = tpu.memref_slice %arg6[%dma_wait3A_645, %dma_wait3A_657, %dma_wait3A_658] : memref<5x128x128xf32, #tpu.memory_space<vmem>> -> memref<1x128x128xf32, #tpu.memory_space<vmem>>
      %dma_wait3A_660 = tpu.memref_squeeze %dma_wait3A_659 : memref<1x128x128xf32, #tpu.memory_space<vmem>> -> memref<128x128xf32, #tpu.memory_space<vmem>>
      tpu.wait_dma2 semaphore(%dma_wait3A_654 : memref<!tpu.dma_semaphore, #tpu.memory_space<semaphore_mem>>) src(%dma_wait3A_660 : memref<128x128xf32, #tpu.memory_space<vmem>>) dst(%dma_wait3A_656 : memref<128x128xf32, #tpu.memory_space<hbm>>)
      %add3A_661 = arith.constant 5 : i32
      %add3A_662 = arith.addi %mul3A_328, %add3A_661 : i32
      %add3A_663 = arith.constant 4 : i32
      %add3A_664 = arith.addi %add3A_662, %add3A_663 : i32
      %dma_start3A_665 = arith.constant 4 : i32
      %dma_start3A_666 = arith.constant 4 : i32
      %dma_start3A_667 = arith.constant 0 : i32
      %dma_start3A_668 = arith.constant 0 : i32
      %dma_start3A_669 = tpu.memref_slice %arg6[%dma_start3A_665, %dma_start3A_667, %dma_start3A_668] : memref<5x128x128xf32, #tpu.memory_space<vmem>> -> memref<1x128x128xf32, #tpu.memory_space<vmem>>
      %dma_start3A_670 = tpu.memref_squeeze %dma_start3A_669 : memref<1x128x128xf32, #tpu.memory_space<vmem>> -> memref<128x128xf32, #tpu.memory_space<vmem>>
      %dma_start3A_671 = arith.constant 0 : i32
      %dma_start3A_672 = tpu.memref_slice %arg5[%add3A_664, %dma_start3A_671] : memref<200x128xi32, #tpu.memory_space<vmem>> -> memref<1x128xi32, #tpu.memory_space<vmem>>
      %dma_start3A_673 = tpu.memref_squeeze %dma_start3A_672 : memref<1x128xi32, #tpu.memory_space<vmem>> -> memref<128xi32, #tpu.memory_space<vmem>>
      %dma_start3A_674 = arith.constant 0 : i32
      %dma_start3A_675 = arith.constant 0 : i32
      %dma_start3A_676 = tpu.memref_slice %arg3[%dma_start3A_674, %dma_start3A_675] : memref<100000x128xf32, #tpu.memory_space<hbm>> -> memref<100000x128xf32, #tpu.memory_space<hbm>>
      %dma_start3A_677 = tpu.memref_slice %arg7[%dma_start3A_666] : memref<5x!tpu.dma_semaphore, #tpu.memory_space<semaphore_mem>> -> memref<1x!tpu.dma_semaphore, #tpu.memory_space<semaphore_mem>>
      %dma_start3A_678 = tpu.memref_squeeze %dma_start3A_677 : memref<1x!tpu.dma_semaphore, #tpu.memory_space<semaphore_mem>> -> memref<!tpu.dma_semaphore, #tpu.memory_space<semaphore_mem>>
      tpu.enqueue_indirect_dma source(%dma_start3A_676 : memref<100000x128xf32, #tpu.memory_space<hbm>>) target(%dma_start3A_670 : memref<128x128xf32, #tpu.memory_space<vmem>>) offsets(%dma_start3A_673 : memref<128xi32, #tpu.memory_space<vmem>>) semaphore(%dma_start3A_678 : memref<!tpu.dma_semaphore, #tpu.memory_space<semaphore_mem>>)
    }
    %scan3A_81 = arith.constant 39 : i32
    %dma_wait3A = arith.constant 0 : i32
    %dma_wait3A_82 = arith.constant 0 : i32
    %dma_wait3A_83 = arith.constant 0 : i32
    %dma_wait3A_84 = arith.constant 0 : i32
    %dma_wait3A_85 = arith.constant 0 : i32
    %dma_wait3A_86 = tpu.memref_slice %arg6[%dma_wait3A_82, %dma_wait3A_84, %dma_wait3A_85] : memref<5x128x128xf32, #tpu.memory_space<vmem>> -> memref<1x128x128xf32, #tpu.memory_space<vmem>>
    %dma_wait3A_87 = tpu.memref_squeeze %dma_wait3A_86 : memref<1x128x128xf32, #tpu.memory_space<vmem>> -> memref<128x128xf32, #tpu.memory_space<vmem>>
    %dma_wait3A_88 = arith.constant 0 : i32
    %dma_wait3A_89 = tpu.memref_slice %arg5[%dma_wait3A, %dma_wait3A_88] : memref<200x128xi32, #tpu.memory_space<vmem>> -> memref<1x128xi32, #tpu.memory_space<vmem>>
    %dma_wait3A_90 = tpu.memref_squeeze %dma_wait3A_89 : memref<1x128xi32, #tpu.memory_space<vmem>> -> memref<128xi32, #tpu.memory_space<vmem>>
    %dma_wait3A_91 = arith.constant 0 : i32
    %dma_wait3A_92 = arith.constant 0 : i32
    %dma_wait3A_93 = tpu.memref_slice %arg3[%dma_wait3A_91, %dma_wait3A_92] : memref<100000x128xf32, #tpu.memory_space<hbm>> -> memref<100000x128xf32, #tpu.memory_space<hbm>>
    %dma_wait3A_94 = tpu.memref_slice %arg7[%dma_wait3A_83] : memref<5x!tpu.dma_semaphore, #tpu.memory_space<semaphore_mem>> -> memref<1x!tpu.dma_semaphore, #tpu.memory_space<semaphore_mem>>
    %dma_wait3A_95 = tpu.memref_squeeze %dma_wait3A_94 : memref<1x!tpu.dma_semaphore, #tpu.memory_space<semaphore_mem>> -> memref<!tpu.dma_semaphore, #tpu.memory_space<semaphore_mem>>
    tpu.wait_indirect_dma semaphore(%dma_wait3A_95 : memref<!tpu.dma_semaphore, #tpu.memory_space<semaphore_mem>>) src(%dma_wait3A_93 : memref<100000x128xf32, #tpu.memory_space<hbm>>) dst(%dma_wait3A_87 : memref<128x128xf32, #tpu.memory_space<vmem>>)
    %add3A_96 = arith.constant 24960 : i32
    %add3A_97 = arith.addi %mul3A_2, %add3A_96 : i32
    %dma_start3A_98 = arith.constant 0 : i32
    %dma_start3A_99 = arith.constant 0 : i32
    %dma_start3A_100 = arith.constant 0 : i32
    %dma_start3A_101 = arith.constant 0 : i32
    %dma_start3A_102 = tpu.memref_slice %arg6[%dma_start3A_98, %dma_start3A_100, %dma_start3A_101] : memref<5x128x128xf32, #tpu.memory_space<vmem>> -> memref<1x128x128xf32, #tpu.memory_space<vmem>>
    %dma_start3A_103 = tpu.memref_squeeze %dma_start3A_102 : memref<1x128x128xf32, #tpu.memory_space<vmem>> -> memref<128x128xf32, #tpu.memory_space<vmem>>
    %dma_start3A_104 = arith.constant 0 : i32
    %dma_start3A_105 = tpu.memref_slice %arg4[%add3A_97, %dma_start3A_104] : memref<819200x128xf32, #tpu.memory_space<hbm>> -> memref<128x128xf32, #tpu.memory_space<hbm>>
    %dma_start3A_106 = tpu.memref_slice %arg8[%dma_start3A_99] : memref<5x!tpu.dma_semaphore, #tpu.memory_space<semaphore_mem>> -> memref<1x!tpu.dma_semaphore, #tpu.memory_space<semaphore_mem>>
    %dma_start3A_107 = tpu.memref_squeeze %dma_start3A_106 : memref<1x!tpu.dma_semaphore, #tpu.memory_space<semaphore_mem>> -> memref<!tpu.dma_semaphore, #tpu.memory_space<semaphore_mem>>
    %dma_start3A_108 = arith.constant 0 : i32
    %dma_start3A_109 = tpu.memref_slice %arg4[%add3A_97, %dma_start3A_108] : memref<819200x128xf32, #tpu.memory_space<hbm>> -> memref<128x128xf32, #tpu.memory_space<hbm>>
    %dma_start3A_110 = arith.constant 0 : i32
    %dma_start3A_111 = arith.constant 0 : i32
    %dma_start3A_112 = tpu.memref_slice %arg6[%dma_start3A_98, %dma_start3A_110, %dma_start3A_111] : memref<5x128x128xf32, #tpu.memory_space<vmem>> -> memref<1x128x128xf32, #tpu.memory_space<vmem>>
    %dma_start3A_113 = tpu.memref_squeeze %dma_start3A_112 : memref<1x128x128xf32, #tpu.memory_space<vmem>> -> memref<128x128xf32, #tpu.memory_space<vmem>>
    tpu.enqueue_dma source(%dma_start3A_113 : memref<128x128xf32, #tpu.memory_space<vmem>>) target(%dma_start3A_109 : memref<128x128xf32, #tpu.memory_space<hbm>>) target_semaphore(%dma_start3A_107 : memref<!tpu.dma_semaphore, #tpu.memory_space<semaphore_mem>>)
    %dma_wait3A_114 = arith.constant 0 : i32
    %dma_wait3A_115 = arith.constant 1 : i32
    %dma_wait3A_116 = arith.constant 1 : i32
    %dma_wait3A_117 = arith.constant 0 : i32
    %dma_wait3A_118 = arith.constant 0 : i32
    %dma_wait3A_119 = tpu.memref_slice %arg6[%dma_wait3A_115, %dma_wait3A_117, %dma_wait3A_118] : memref<5x128x128xf32, #tpu.memory_space<vmem>> -> memref<1x128x128xf32, #tpu.memory_space<vmem>>
    %dma_wait3A_120 = tpu.memref_squeeze %dma_wait3A_119 : memref<1x128x128xf32, #tpu.memory_space<vmem>> -> memref<128x128xf32, #tpu.memory_space<vmem>>
    %dma_wait3A_121 = arith.constant 0 : i32
    %dma_wait3A_122 = tpu.memref_slice %arg5[%dma_wait3A_114, %dma_wait3A_121] : memref<200x128xi32, #tpu.memory_space<vmem>> -> memref<1x128xi32, #tpu.memory_space<vmem>>
    %dma_wait3A_123 = tpu.memref_squeeze %dma_wait3A_122 : memref<1x128xi32, #tpu.memory_space<vmem>> -> memref<128xi32, #tpu.memory_space<vmem>>
    %dma_wait3A_124 = arith.constant 0 : i32
    %dma_wait3A_125 = arith.constant 0 : i32
    %dma_wait3A_126 = tpu.memref_slice %arg3[%dma_wait3A_124, %dma_wait3A_125] : memref<100000x128xf32, #tpu.memory_space<hbm>> -> memref<100000x128xf32, #tpu.memory_space<hbm>>
    %dma_wait3A_127 = tpu.memref_slice %arg7[%dma_wait3A_116] : memref<5x!tpu.dma_semaphore, #tpu.memory_space<semaphore_mem>> -> memref<1x!tpu.dma_semaphore, #tpu.memory_space<semaphore_mem>>
    %dma_wait3A_128 = tpu.memref_squeeze %dma_wait3A_127 : memref<1x!tpu.dma_semaphore, #tpu.memory_space<semaphore_mem>> -> memref<!tpu.dma_semaphore, #tpu.memory_space<semaphore_mem>>
    tpu.wait_indirect_dma semaphore(%dma_wait3A_128 : memref<!tpu.dma_semaphore, #tpu.memory_space<semaphore_mem>>) src(%dma_wait3A_126 : memref<100000x128xf32, #tpu.memory_space<hbm>>) dst(%dma_wait3A_120 : memref<128x128xf32, #tpu.memory_space<vmem>>)
    %add3A_129 = arith.constant 25088 : i32
    %add3A_130 = arith.addi %mul3A_2, %add3A_129 : i32
    %dma_start3A_131 = arith.constant 1 : i32
    %dma_start3A_132 = arith.constant 1 : i32
    %dma_start3A_133 = arith.constant 0 : i32
    %dma_start3A_134 = arith.constant 0 : i32
    %dma_start3A_135 = tpu.memref_slice %arg6[%dma_start3A_131, %dma_start3A_133, %dma_start3A_134] : memref<5x128x128xf32, #tpu.memory_space<vmem>> -> memref<1x128x128xf32, #tpu.memory_space<vmem>>
    %dma_start3A_136 = tpu.memref_squeeze %dma_start3A_135 : memref<1x128x128xf32, #tpu.memory_space<vmem>> -> memref<128x128xf32, #tpu.memory_space<vmem>>
    %dma_start3A_137 = arith.constant 0 : i32
    %dma_start3A_138 = tpu.memref_slice %arg4[%add3A_130, %dma_start3A_137] : memref<819200x128xf32, #tpu.memory_space<hbm>> -> memref<128x128xf32, #tpu.memory_space<hbm>>
    %dma_start3A_139 = tpu.memref_slice %arg8[%dma_start3A_132] : memref<5x!tpu.dma_semaphore, #tpu.memory_space<semaphore_mem>> -> memref<1x!tpu.dma_semaphore, #tpu.memory_space<semaphore_mem>>
    %dma_start3A_140 = tpu.memref_squeeze %dma_start3A_139 : memref<1x!tpu.dma_semaphore, #tpu.memory_space<semaphore_mem>> -> memref<!tpu.dma_semaphore, #tpu.memory_space<semaphore_mem>>
    %dma_start3A_141 = arith.constant 0 : i32
    %dma_start3A_142 = tpu.memref_slice %arg4[%add3A_130, %dma_start3A_141] : memref<819200x128xf32, #tpu.memory_space<hbm>> -> memref<128x128xf32, #tpu.memory_space<hbm>>
    %dma_start3A_143 = arith.constant 0 : i32
    %dma_start3A_144 = arith.constant 0 : i32
    %dma_start3A_145 = tpu.memref_slice %arg6[%dma_start3A_131, %dma_start3A_143, %dma_start3A_144] : memref<5x128x128xf32, #tpu.memory_space<vmem>> -> memref<1x128x128xf32, #tpu.memory_space<vmem>>
    %dma_start3A_146 = tpu.memref_squeeze %dma_start3A_145 : memref<1x128x128xf32, #tpu.memory_space<vmem>> -> memref<128x128xf32, #tpu.memory_space<vmem>>
    tpu.enqueue_dma source(%dma_start3A_146 : memref<128x128xf32, #tpu.memory_space<vmem>>) target(%dma_start3A_142 : memref<128x128xf32, #tpu.memory_space<hbm>>) target_semaphore(%dma_start3A_140 : memref<!tpu.dma_semaphore, #tpu.memory_space<semaphore_mem>>)
    %dma_wait3A_147 = arith.constant 0 : i32
    %dma_wait3A_148 = arith.constant 2 : i32
    %dma_wait3A_149 = arith.constant 2 : i32
    %dma_wait3A_150 = arith.constant 0 : i32
    %dma_wait3A_151 = arith.constant 0 : i32
    %dma_wait3A_152 = tpu.memref_slice %arg6[%dma_wait3A_148, %dma_wait3A_150, %dma_wait3A_151] : memref<5x128x128xf32, #tpu.memory_space<vmem>> -> memref<1x128x128xf32, #tpu.memory_space<vmem>>
    %dma_wait3A_153 = tpu.memref_squeeze %dma_wait3A_152 : memref<1x128x128xf32, #tpu.memory_space<vmem>> -> memref<128x128xf32, #tpu.memory_space<vmem>>
    %dma_wait3A_154 = arith.constant 0 : i32
    %dma_wait3A_155 = tpu.memref_slice %arg5[%dma_wait3A_147, %dma_wait3A_154] : memref<200x128xi32, #tpu.memory_space<vmem>> -> memref<1x128xi32, #tpu.memory_space<vmem>>
    %dma_wait3A_156 = tpu.memref_squeeze %dma_wait3A_155 : memref<1x128xi32, #tpu.memory_space<vmem>> -> memref<128xi32, #tpu.memory_space<vmem>>
    %dma_wait3A_157 = arith.constant 0 : i32
    %dma_wait3A_158 = arith.constant 0 : i32
    %dma_wait3A_159 = tpu.memref_slice %arg3[%dma_wait3A_157, %dma_wait3A_158] : memref<100000x128xf32, #tpu.memory_space<hbm>> -> memref<100000x128xf32, #tpu.memory_space<hbm>>
    %dma_wait3A_160 = tpu.memref_slice %arg7[%dma_wait3A_149] : memref<5x!tpu.dma_semaphore, #tpu.memory_space<semaphore_mem>> -> memref<1x!tpu.dma_semaphore, #tpu.memory_space<semaphore_mem>>
    %dma_wait3A_161 = tpu.memref_squeeze %dma_wait3A_160 : memref<1x!tpu.dma_semaphore, #tpu.memory_space<semaphore_mem>> -> memref<!tpu.dma_semaphore, #tpu.memory_space<semaphore_mem>>
    tpu.wait_indirect_dma semaphore(%dma_wait3A_161 : memref<!tpu.dma_semaphore, #tpu.memory_space<semaphore_mem>>) src(%dma_wait3A_159 : memref<100000x128xf32, #tpu.memory_space<hbm>>) dst(%dma_wait3A_153 : memref<128x128xf32, #tpu.memory_space<vmem>>)
    %add3A_162 = arith.constant 25216 : i32
    %add3A_163 = arith.addi %mul3A_2, %add3A_162 : i32
    %dma_start3A_164 = arith.constant 2 : i32
    %dma_start3A_165 = arith.constant 2 : i32
    %dma_start3A_166 = arith.constant 0 : i32
    %dma_start3A_167 = arith.constant 0 : i32
    %dma_start3A_168 = tpu.memref_slice %arg6[%dma_start3A_164, %dma_start3A_166, %dma_start3A_167] : memref<5x128x128xf32, #tpu.memory_space<vmem>> -> memref<1x128x128xf32, #tpu.memory_space<vmem>>
    %dma_start3A_169 = tpu.memref_squeeze %dma_start3A_168 : memref<1x128x128xf32, #tpu.memory_space<vmem>> -> memref<128x128xf32, #tpu.memory_space<vmem>>
    %dma_start3A_170 = arith.constant 0 : i32
    %dma_start3A_171 = tpu.memref_slice %arg4[%add3A_163, %dma_start3A_170] : memref<819200x128xf32, #tpu.memory_space<hbm>> -> memref<128x128xf32, #tpu.memory_space<hbm>>
    %dma_start3A_172 = tpu.memref_slice %arg8[%dma_start3A_165] : memref<5x!tpu.dma_semaphore, #tpu.memory_space<semaphore_mem>> -> memref<1x!tpu.dma_semaphore, #tpu.memory_space<semaphore_mem>>
    %dma_start3A_173 = tpu.memref_squeeze %dma_start3A_172 : memref<1x!tpu.dma_semaphore, #tpu.memory_space<semaphore_mem>> -> memref<!tpu.dma_semaphore, #tpu.memory_space<semaphore_mem>>
    %dma_start3A_174 = arith.constant 0 : i32
    %dma_start3A_175 = tpu.memref_slice %arg4[%add3A_163, %dma_start3A_174] : memref<819200x128xf32, #tpu.memory_space<hbm>> -> memref<128x128xf32, #tpu.memory_space<hbm>>
    %dma_start3A_176 = arith.constant 0 : i32
    %dma_start3A_177 = arith.constant 0 : i32
    %dma_start3A_178 = tpu.memref_slice %arg6[%dma_start3A_164, %dma_start3A_176, %dma_start3A_177] : memref<5x128x128xf32, #tpu.memory_space<vmem>> -> memref<1x128x128xf32, #tpu.memory_space<vmem>>
    %dma_start3A_179 = tpu.memref_squeeze %dma_start3A_178 : memref<1x128x128xf32, #tpu.memory_space<vmem>> -> memref<128x128xf32, #tpu.memory_space<vmem>>
    tpu.enqueue_dma source(%dma_start3A_179 : memref<128x128xf32, #tpu.memory_space<vmem>>) target(%dma_start3A_175 : memref<128x128xf32, #tpu.memory_space<hbm>>) target_semaphore(%dma_start3A_173 : memref<!tpu.dma_semaphore, #tpu.memory_space<semaphore_mem>>)
    %dma_wait3A_180 = arith.constant 0 : i32
    %dma_wait3A_181 = arith.constant 3 : i32
    %dma_wait3A_182 = arith.constant 3 : i32
    %dma_wait3A_183 = arith.constant 0 : i32
    %dma_wait3A_184 = arith.constant 0 : i32
    %dma_wait3A_185 = tpu.memref_slice %arg6[%dma_wait3A_181, %dma_wait3A_183, %dma_wait3A_184] : memref<5x128x128xf32, #tpu.memory_space<vmem>> -> memref<1x128x128xf32, #tpu.memory_space<vmem>>
    %dma_wait3A_186 = tpu.memref_squeeze %dma_wait3A_185 : memref<1x128x128xf32, #tpu.memory_space<vmem>> -> memref<128x128xf32, #tpu.memory_space<vmem>>
    %dma_wait3A_187 = arith.constant 0 : i32
    %dma_wait3A_188 = tpu.memref_slice %arg5[%dma_wait3A_180, %dma_wait3A_187] : memref<200x128xi32, #tpu.memory_space<vmem>> -> memref<1x128xi32, #tpu.memory_space<vmem>>
    %dma_wait3A_189 = tpu.memref_squeeze %dma_wait3A_188 : memref<1x128xi32, #tpu.memory_space<vmem>> -> memref<128xi32, #tpu.memory_space<vmem>>
    %dma_wait3A_190 = arith.constant 0 : i32
    %dma_wait3A_191 = arith.constant 0 : i32
    %dma_wait3A_192 = tpu.memref_slice %arg3[%dma_wait3A_190, %dma_wait3A_191] : memref<100000x128xf32, #tpu.memory_space<hbm>> -> memref<100000x128xf32, #tpu.memory_space<hbm>>
    %dma_wait3A_193 = tpu.memref_slice %arg7[%dma_wait3A_182] : memref<5x!tpu.dma_semaphore, #tpu.memory_space<semaphore_mem>> -> memref<1x!tpu.dma_semaphore, #tpu.memory_space<semaphore_mem>>
    %dma_wait3A_194 = tpu.memref_squeeze %dma_wait3A_193 : memref<1x!tpu.dma_semaphore, #tpu.memory_space<semaphore_mem>> -> memref<!tpu.dma_semaphore, #tpu.memory_space<semaphore_mem>>
    tpu.wait_indirect_dma semaphore(%dma_wait3A_194 : memref<!tpu.dma_semaphore, #tpu.memory_space<semaphore_mem>>) src(%dma_wait3A_192 : memref<100000x128xf32, #tpu.memory_space<hbm>>) dst(%dma_wait3A_186 : memref<128x128xf32, #tpu.memory_space<vmem>>)
    %add3A_195 = arith.constant 25344 : i32
    %add3A_196 = arith.addi %mul3A_2, %add3A_195 : i32
    %dma_start3A_197 = arith.constant 3 : i32
    %dma_start3A_198 = arith.constant 3 : i32
    %dma_start3A_199 = arith.constant 0 : i32
    %dma_start3A_200 = arith.constant 0 : i32
    %dma_start3A_201 = tpu.memref_slice %arg6[%dma_start3A_197, %dma_start3A_199, %dma_start3A_200] : memref<5x128x128xf32, #tpu.memory_space<vmem>> -> memref<1x128x128xf32, #tpu.memory_space<vmem>>
    %dma_start3A_202 = tpu.memref_squeeze %dma_start3A_201 : memref<1x128x128xf32, #tpu.memory_space<vmem>> -> memref<128x128xf32, #tpu.memory_space<vmem>>
    %dma_start3A_203 = arith.constant 0 : i32
    %dma_start3A_204 = tpu.memref_slice %arg4[%add3A_196, %dma_start3A_203] : memref<819200x128xf32, #tpu.memory_space<hbm>> -> memref<128x128xf32, #tpu.memory_space<hbm>>
    %dma_start3A_205 = tpu.memref_slice %arg8[%dma_start3A_198] : memref<5x!tpu.dma_semaphore, #tpu.memory_space<semaphore_mem>> -> memref<1x!tpu.dma_semaphore, #tpu.memory_space<semaphore_mem>>
    %dma_start3A_206 = tpu.memref_squeeze %dma_start3A_205 : memref<1x!tpu.dma_semaphore, #tpu.memory_space<semaphore_mem>> -> memref<!tpu.dma_semaphore, #tpu.memory_space<semaphore_mem>>
    %dma_start3A_207 = arith.constant 0 : i32
    %dma_start3A_208 = tpu.memref_slice %arg4[%add3A_196, %dma_start3A_207] : memref<819200x128xf32, #tpu.memory_space<hbm>> -> memref<128x128xf32, #tpu.memory_space<hbm>>
    %dma_start3A_209 = arith.constant 0 : i32
    %dma_start3A_210 = arith.constant 0 : i32
    %dma_start3A_211 = tpu.memref_slice %arg6[%dma_start3A_197, %dma_start3A_209, %dma_start3A_210] : memref<5x128x128xf32, #tpu.memory_space<vmem>> -> memref<1x128x128xf32, #tpu.memory_space<vmem>>
    %dma_start3A_212 = tpu.memref_squeeze %dma_start3A_211 : memref<1x128x128xf32, #tpu.memory_space<vmem>> -> memref<128x128xf32, #tpu.memory_space<vmem>>
    tpu.enqueue_dma source(%dma_start3A_212 : memref<128x128xf32, #tpu.memory_space<vmem>>) target(%dma_start3A_208 : memref<128x128xf32, #tpu.memory_space<hbm>>) target_semaphore(%dma_start3A_206 : memref<!tpu.dma_semaphore, #tpu.memory_space<semaphore_mem>>)
    %dma_wait3A_213 = arith.constant 0 : i32
    %dma_wait3A_214 = arith.constant 4 : i32
    %dma_wait3A_215 = arith.constant 4 : i32
    %dma_wait3A_216 = arith.constant 0 : i32
    %dma_wait3A_217 = arith.constant 0 : i32
    %dma_wait3A_218 = tpu.memref_slice %arg6[%dma_wait3A_214, %dma_wait3A_216, %dma_wait3A_217] : memref<5x128x128xf32, #tpu.memory_space<vmem>> -> memref<1x128x128xf32, #tpu.memory_space<vmem>>
    %dma_wait3A_219 = tpu.memref_squeeze %dma_wait3A_218 : memref<1x128x128xf32, #tpu.memory_space<vmem>> -> memref<128x128xf32, #tpu.memory_space<vmem>>
    %dma_wait3A_220 = arith.constant 0 : i32
    %dma_wait3A_221 = tpu.memref_slice %arg5[%dma_wait3A_213, %dma_wait3A_220] : memref<200x128xi32, #tpu.memory_space<vmem>> -> memref<1x128xi32, #tpu.memory_space<vmem>>
    %dma_wait3A_222 = tpu.memref_squeeze %dma_wait3A_221 : memref<1x128xi32, #tpu.memory_space<vmem>> -> memref<128xi32, #tpu.memory_space<vmem>>
    %dma_wait3A_223 = arith.constant 0 : i32
    %dma_wait3A_224 = arith.constant 0 : i32
    %dma_wait3A_225 = tpu.memref_slice %arg3[%dma_wait3A_223, %dma_wait3A_224] : memref<100000x128xf32, #tpu.memory_space<hbm>> -> memref<100000x128xf32, #tpu.memory_space<hbm>>
    %dma_wait3A_226 = tpu.memref_slice %arg7[%dma_wait3A_215] : memref<5x!tpu.dma_semaphore, #tpu.memory_space<semaphore_mem>> -> memref<1x!tpu.dma_semaphore, #tpu.memory_space<semaphore_mem>>
    %dma_wait3A_227 = tpu.memref_squeeze %dma_wait3A_226 : memref<1x!tpu.dma_semaphore, #tpu.memory_space<semaphore_mem>> -> memref<!tpu.dma_semaphore, #tpu.memory_space<semaphore_mem>>
    tpu.wait_indirect_dma semaphore(%dma_wait3A_227 : memref<!tpu.dma_semaphore, #tpu.memory_space<semaphore_mem>>) src(%dma_wait3A_225 : memref<100000x128xf32, #tpu.memory_space<hbm>>) dst(%dma_wait3A_219 : memref<128x128xf32, #tpu.memory_space<vmem>>)
    %add3A_228 = arith.constant 25472 : i32
    %add3A_229 = arith.addi %mul3A_2, %add3A_228 : i32
    %dma_start3A_230 = arith.constant 4 : i32
    %dma_start3A_231 = arith.constant 4 : i32
    %dma_start3A_232 = arith.constant 0 : i32
    %dma_start3A_233 = arith.constant 0 : i32
    %dma_start3A_234 = tpu.memref_slice %arg6[%dma_start3A_230, %dma_start3A_232, %dma_start3A_233] : memref<5x128x128xf32, #tpu.memory_space<vmem>> -> memref<1x128x128xf32, #tpu.memory_space<vmem>>
    %dma_start3A_235 = tpu.memref_squeeze %dma_start3A_234 : memref<1x128x128xf32, #tpu.memory_space<vmem>> -> memref<128x128xf32, #tpu.memory_space<vmem>>
    %dma_start3A_236 = arith.constant 0 : i32
    %dma_start3A_237 = tpu.memref_slice %arg4[%add3A_229, %dma_start3A_236] : memref<819200x128xf32, #tpu.memory_space<hbm>> -> memref<128x128xf32, #tpu.memory_space<hbm>>
    %dma_start3A_238 = tpu.memref_slice %arg8[%dma_start3A_231] : memref<5x!tpu.dma_semaphore, #tpu.memory_space<semaphore_mem>> -> memref<1x!tpu.dma_semaphore, #tpu.memory_space<semaphore_mem>>
    %dma_start3A_239 = tpu.memref_squeeze %dma_start3A_238 : memref<1x!tpu.dma_semaphore, #tpu.memory_space<semaphore_mem>> -> memref<!tpu.dma_semaphore, #tpu.memory_space<semaphore_mem>>
    %dma_start3A_240 = arith.constant 0 : i32
    %dma_start3A_241 = tpu.memref_slice %arg4[%add3A_229, %dma_start3A_240] : memref<819200x128xf32, #tpu.memory_space<hbm>> -> memref<128x128xf32, #tpu.memory_space<hbm>>
    %dma_start3A_242 = arith.constant 0 : i32
    %dma_start3A_243 = arith.constant 0 : i32
    %dma_start3A_244 = tpu.memref_slice %arg6[%dma_start3A_230, %dma_start3A_242, %dma_start3A_243] : memref<5x128x128xf32, #tpu.memory_space<vmem>> -> memref<1x128x128xf32, #tpu.memory_space<vmem>>
    %dma_start3A_245 = tpu.memref_squeeze %dma_start3A_244 : memref<1x128x128xf32, #tpu.memory_space<vmem>> -> memref<128x128xf32, #tpu.memory_space<vmem>>
    tpu.enqueue_dma source(%dma_start3A_245 : memref<128x128xf32, #tpu.memory_space<vmem>>) target(%dma_start3A_241 : memref<128x128xf32, #tpu.memory_space<hbm>>) target_semaphore(%dma_start3A_239 : memref<!tpu.dma_semaphore, #tpu.memory_space<semaphore_mem>>)
    %dma_wait3A_246 = arith.constant 0 : i32
    %dma_wait3A_247 = arith.constant 0 : i32
    %dma_wait3A_248 = arith.constant 0 : i32
    %dma_wait3A_249 = arith.constant 0 : i32
    %dma_wait3A_250 = tpu.memref_slice %arg6[%dma_wait3A_246, %dma_wait3A_248, %dma_wait3A_249] : memref<5x128x128xf32, #tpu.memory_space<vmem>> -> memref<1x128x128xf32, #tpu.memory_space<vmem>>
    %dma_wait3A_251 = tpu.memref_squeeze %dma_wait3A_250 : memref<1x128x128xf32, #tpu.memory_space<vmem>> -> memref<128x128xf32, #tpu.memory_space<vmem>>
    %dma_wait3A_252 = arith.constant 0 : i32
    %dma_wait3A_253 = tpu.memref_slice %arg4[%mul3A_2, %dma_wait3A_252] : memref<819200x128xf32, #tpu.memory_space<hbm>> -> memref<128x128xf32, #tpu.memory_space<hbm>>
    %dma_wait3A_254 = tpu.memref_slice %arg8[%dma_wait3A_247] : memref<5x!tpu.dma_semaphore, #tpu.memory_space<semaphore_mem>> -> memref<1x!tpu.dma_semaphore, #tpu.memory_space<semaphore_mem>>
    %dma_wait3A_255 = tpu.memref_squeeze %dma_wait3A_254 : memref<1x!tpu.dma_semaphore, #tpu.memory_space<semaphore_mem>> -> memref<!tpu.dma_semaphore, #tpu.memory_space<semaphore_mem>>
    %dma_wait3A_256 = arith.constant 0 : i32
    %dma_wait3A_257 = tpu.memref_slice %arg4[%mul3A_2, %dma_wait3A_256] : memref<819200x128xf32, #tpu.memory_space<hbm>> -> memref<128x128xf32, #tpu.memory_space<hbm>>
    %dma_wait3A_258 = arith.constant 0 : i32
    %dma_wait3A_259 = arith.constant 0 : i32
    %dma_wait3A_260 = tpu.memref_slice %arg6[%dma_wait3A_246, %dma_wait3A_258, %dma_wait3A_259] : memref<5x128x128xf32, #tpu.memory_space<vmem>> -> memref<1x128x128xf32, #tpu.memory_space<vmem>>
    %dma_wait3A_261 = tpu.memref_squeeze %dma_wait3A_260 : memref<1x128x128xf32, #tpu.memory_space<vmem>> -> memref<128x128xf32, #tpu.memory_space<vmem>>
    tpu.wait_dma2 semaphore(%dma_wait3A_255 : memref<!tpu.dma_semaphore, #tpu.memory_space<semaphore_mem>>) src(%dma_wait3A_261 : memref<128x128xf32, #tpu.memory_space<vmem>>) dst(%dma_wait3A_257 : memref<128x128xf32, #tpu.memory_space<hbm>>)
    %dma_wait3A_262 = arith.constant 1 : i32
    %dma_wait3A_263 = arith.constant 1 : i32
    %dma_wait3A_264 = arith.constant 0 : i32
    %dma_wait3A_265 = arith.constant 0 : i32
    %dma_wait3A_266 = tpu.memref_slice %arg6[%dma_wait3A_262, %dma_wait3A_264, %dma_wait3A_265] : memref<5x128x128xf32, #tpu.memory_space<vmem>> -> memref<1x128x128xf32, #tpu.memory_space<vmem>>
    %dma_wait3A_267 = tpu.memref_squeeze %dma_wait3A_266 : memref<1x128x128xf32, #tpu.memory_space<vmem>> -> memref<128x128xf32, #tpu.memory_space<vmem>>
    %dma_wait3A_268 = arith.constant 0 : i32
    %dma_wait3A_269 = tpu.memref_slice %arg4[%mul3A_2, %dma_wait3A_268] : memref<819200x128xf32, #tpu.memory_space<hbm>> -> memref<128x128xf32, #tpu.memory_space<hbm>>
    %dma_wait3A_270 = tpu.memref_slice %arg8[%dma_wait3A_263] : memref<5x!tpu.dma_semaphore, #tpu.memory_space<semaphore_mem>> -> memref<1x!tpu.dma_semaphore, #tpu.memory_space<semaphore_mem>>
    %dma_wait3A_271 = tpu.memref_squeeze %dma_wait3A_270 : memref<1x!tpu.dma_semaphore, #tpu.memory_space<semaphore_mem>> -> memref<!tpu.dma_semaphore, #tpu.memory_space<semaphore_mem>>
    %dma_wait3A_272 = arith.constant 0 : i32
    %dma_wait3A_273 = tpu.memref_slice %arg4[%mul3A_2, %dma_wait3A_272] : memref<819200x128xf32, #tpu.memory_space<hbm>> -> memref<128x128xf32, #tpu.memory_space<hbm>>
    %dma_wait3A_274 = arith.constant 0 : i32
    %dma_wait3A_275 = arith.constant 0 : i32
    %dma_wait3A_276 = tpu.memref_slice %arg6[%dma_wait3A_262, %dma_wait3A_274, %dma_wait3A_275] : memref<5x128x128xf32, #tpu.memory_space<vmem>> -> memref<1x128x128xf32, #tpu.memory_space<vmem>>
    %dma_wait3A_277 = tpu.memref_squeeze %dma_wait3A_276 : memref<1x128x128xf32, #tpu.memory_space<vmem>> -> memref<128x128xf32, #tpu.memory_space<vmem>>
    tpu.wait_dma2 semaphore(%dma_wait3A_271 : memref<!tpu.dma_semaphore, #tpu.memory_space<semaphore_mem>>) src(%dma_wait3A_277 : memref<128x128xf32, #tpu.memory_space<vmem>>) dst(%dma_wait3A_273 : memref<128x128xf32, #tpu.memory_space<hbm>>)
    %dma_wait3A_278 = arith.constant 2 : i32
    %dma_wait3A_279 = arith.constant 2 : i32
    %dma_wait3A_280 = arith.constant 0 : i32
    %dma_wait3A_281 = arith.constant 0 : i32
    %dma_wait3A_282 = tpu.memref_slice %arg6[%dma_wait3A_278, %dma_wait3A_280, %dma_wait3A_281] : memref<5x128x128xf32, #tpu.memory_space<vmem>> -> memref<1x128x128xf32, #tpu.memory_space<vmem>>
    %dma_wait3A_283 = tpu.memref_squeeze %dma_wait3A_282 : memref<1x128x128xf32, #tpu.memory_space<vmem>> -> memref<128x128xf32, #tpu.memory_space<vmem>>
    %dma_wait3A_284 = arith.constant 0 : i32
    %dma_wait3A_285 = tpu.memref_slice %arg4[%mul3A_2, %dma_wait3A_284] : memref<819200x128xf32, #tpu.memory_space<hbm>> -> memref<128x128xf32, #tpu.memory_space<hbm>>
    %dma_wait3A_286 = tpu.memref_slice %arg8[%dma_wait3A_279] : memref<5x!tpu.dma_semaphore, #tpu.memory_space<semaphore_mem>> -> memref<1x!tpu.dma_semaphore, #tpu.memory_space<semaphore_mem>>
    %dma_wait3A_287 = tpu.memref_squeeze %dma_wait3A_286 : memref<1x!tpu.dma_semaphore, #tpu.memory_space<semaphore_mem>> -> memref<!tpu.dma_semaphore, #tpu.memory_space<semaphore_mem>>
    %dma_wait3A_288 = arith.constant 0 : i32
    %dma_wait3A_289 = tpu.memref_slice %arg4[%mul3A_2, %dma_wait3A_288] : memref<819200x128xf32, #tpu.memory_space<hbm>> -> memref<128x128xf32, #tpu.memory_space<hbm>>
    %dma_wait3A_290 = arith.constant 0 : i32
    %dma_wait3A_291 = arith.constant 0 : i32
    %dma_wait3A_292 = tpu.memref_slice %arg6[%dma_wait3A_278, %dma_wait3A_290, %dma_wait3A_291] : memref<5x128x128xf32, #tpu.memory_space<vmem>> -> memref<1x128x128xf32, #tpu.memory_space<vmem>>
    %dma_wait3A_293 = tpu.memref_squeeze %dma_wait3A_292 : memref<1x128x128xf32, #tpu.memory_space<vmem>> -> memref<128x128xf32, #tpu.memory_space<vmem>>
    tpu.wait_dma2 semaphore(%dma_wait3A_287 : memref<!tpu.dma_semaphore, #tpu.memory_space<semaphore_mem>>) src(%dma_wait3A_293 : memref<128x128xf32, #tpu.memory_space<vmem>>) dst(%dma_wait3A_289 : memref<128x128xf32, #tpu.memory_space<hbm>>)
    %dma_wait3A_294 = arith.constant 3 : i32
    %dma_wait3A_295 = arith.constant 3 : i32
    %dma_wait3A_296 = arith.constant 0 : i32
    %dma_wait3A_297 = arith.constant 0 : i32
    %dma_wait3A_298 = tpu.memref_slice %arg6[%dma_wait3A_294, %dma_wait3A_296, %dma_wait3A_297] : memref<5x128x128xf32, #tpu.memory_space<vmem>> -> memref<1x128x128xf32, #tpu.memory_space<vmem>>
    %dma_wait3A_299 = tpu.memref_squeeze %dma_wait3A_298 : memref<1x128x128xf32, #tpu.memory_space<vmem>> -> memref<128x128xf32, #tpu.memory_space<vmem>>
    %dma_wait3A_300 = arith.constant 0 : i32
    %dma_wait3A_301 = tpu.memref_slice %arg4[%mul3A_2, %dma_wait3A_300] : memref<819200x128xf32, #tpu.memory_space<hbm>> -> memref<128x128xf32, #tpu.memory_space<hbm>>
    %dma_wait3A_302 = tpu.memref_slice %arg8[%dma_wait3A_295] : memref<5x!tpu.dma_semaphore, #tpu.memory_space<semaphore_mem>> -> memref<1x!tpu.dma_semaphore, #tpu.memory_space<semaphore_mem>>
    %dma_wait3A_303 = tpu.memref_squeeze %dma_wait3A_302 : memref<1x!tpu.dma_semaphore, #tpu.memory_space<semaphore_mem>> -> memref<!tpu.dma_semaphore, #tpu.memory_space<semaphore_mem>>
    %dma_wait3A_304 = arith.constant 0 : i32
    %dma_wait3A_305 = tpu.memref_slice %arg4[%mul3A_2, %dma_wait3A_304] : memref<819200x128xf32, #tpu.memory_space<hbm>> -> memref<128x128xf32, #tpu.memory_space<hbm>>
    %dma_wait3A_306 = arith.constant 0 : i32
    %dma_wait3A_307 = arith.constant 0 : i32
    %dma_wait3A_308 = tpu.memref_slice %arg6[%dma_wait3A_294, %dma_wait3A_306, %dma_wait3A_307] : memref<5x128x128xf32, #tpu.memory_space<vmem>> -> memref<1x128x128xf32, #tpu.memory_space<vmem>>
    %dma_wait3A_309 = tpu.memref_squeeze %dma_wait3A_308 : memref<1x128x128xf32, #tpu.memory_space<vmem>> -> memref<128x128xf32, #tpu.memory_space<vmem>>
    tpu.wait_dma2 semaphore(%dma_wait3A_303 : memref<!tpu.dma_semaphore, #tpu.memory_space<semaphore_mem>>) src(%dma_wait3A_309 : memref<128x128xf32, #tpu.memory_space<vmem>>) dst(%dma_wait3A_305 : memref<128x128xf32, #tpu.memory_space<hbm>>)
    %dma_wait3A_310 = arith.constant 4 : i32
    %dma_wait3A_311 = arith.constant 4 : i32
    %dma_wait3A_312 = arith.constant 0 : i32
    %dma_wait3A_313 = arith.constant 0 : i32
    %dma_wait3A_314 = tpu.memref_slice %arg6[%dma_wait3A_310, %dma_wait3A_312, %dma_wait3A_313] : memref<5x128x128xf32, #tpu.memory_space<vmem>> -> memref<1x128x128xf32, #tpu.memory_space<vmem>>
    %dma_wait3A_315 = tpu.memref_squeeze %dma_wait3A_314 : memref<1x128x128xf32, #tpu.memory_space<vmem>> -> memref<128x128xf32, #tpu.memory_space<vmem>>
    %dma_wait3A_316 = arith.constant 0 : i32
    %dma_wait3A_317 = tpu.memref_slice %arg4[%mul3A_2, %dma_wait3A_316] : memref<819200x128xf32, #tpu.memory_space<hbm>> -> memref<128x128xf32, #tpu.memory_space<hbm>>
    %dma_wait3A_318 = tpu.memref_slice %arg8[%dma_wait3A_311] : memref<5x!tpu.dma_semaphore, #tpu.memory_space<semaphore_mem>> -> memref<1x!tpu.dma_semaphore, #tpu.memory_space<semaphore_mem>>
    %dma_wait3A_319 = tpu.memref_squeeze %dma_wait3A_318 : memref<1x!tpu.dma_semaphore, #tpu.memory_space<semaphore_mem>> -> memref<!tpu.dma_semaphore, #tpu.memory_space<semaphore_mem>>
    %dma_wait3A_320 = arith.constant 0 : i32
    %dma_wait3A_321 = tpu.memref_slice %arg4[%mul3A_2, %dma_wait3A_320] : memref<819200x128xf32, #tpu.memory_space<hbm>> -> memref<128x128xf32, #tpu.memory_space<hbm>>
    %dma_wait3A_322 = arith.constant 0 : i32
    %dma_wait3A_323 = arith.constant 0 : i32
    %dma_wait3A_324 = tpu.memref_slice %arg6[%dma_wait3A_310, %dma_wait3A_322, %dma_wait3A_323] : memref<5x128x128xf32, #tpu.memory_space<vmem>> -> memref<1x128x128xf32, #tpu.memory_space<vmem>>
    %dma_wait3A_325 = tpu.memref_squeeze %dma_wait3A_324 : memref<1x128x128xf32, #tpu.memory_space<vmem>> -> memref<128x128xf32, #tpu.memory_space<vmem>>
    tpu.wait_dma2 semaphore(%dma_wait3A_319 : memref<!tpu.dma_semaphore, #tpu.memory_space<semaphore_mem>>) src(%dma_wait3A_325 : memref<128x128xf32, #tpu.memory_space<vmem>>) dst(%dma_wait3A_321 : memref<128x128xf32, #tpu.memory_space<hbm>>)
    return
  }
}

</mosaic_0001>

<sc_bundles>
// kernel: kernel.3.cloned.1.call-start
scs
__scs_entry_jumppad:
0x0: {  	(pc) =	sbr.rel $0x88, $3  }
0x1: {  	(tag) =	ssettag $0x0;
	lr =	simm.s32 $0x1  }
0x2: {  	[smem:$0x3F9F] =	sst lr;
	_ =	strace $0xD0000000  }
0x3: {  	_ = 	snop  }
0x4: {  	_ = 	snop  }
0x5: {  	_ = 	snop  }
0x6: {  	_ = 	snop  }
0x7: {  	_ = 	snop  }
__scs_overlays_trampoline_lowered:
0x8: {  	[smem:$0x3FAE] =	sst s0  }
0x9: {  	[smem:$0x3FAF] =	sst s1  }
0xa: {  	[smem:$0x3FB0] =	sst s2  }
0xb: {  	[smem:$0x3FB1] =	sst s3  }
0xc: {  	[smem:$0x3FB2] =	sst s4  }
0xd: {  	[smem:$0x3FB3] =	sst s5  }
0xe: {  	[smem:$0x3FB4] =	sst s6  }
0xf: {  	[smem:$0x3FB5] =	sst s7  }
0x10: {  	[smem:$0x3FB6] =	sst s8  }
0x11: {  	[smem:$0x3FB7] =	sst s9;
	s0 =	simm.s32 @!p0 $0x0  }
0x12: {  	s1 =	sld [smem:$0x3F9D];
	s0 =	simm.s32 @p0 $0x1  }
0x13: {  	[smem:$0x3FB8] =	sst s0;
	s0 =	simm.s32 @!p1 $0x0  }
0x14: {  	s2 =	sld [smem:$0x3F9C];
	s0 =	simm.s32 @p1 $0x1  }
0x15: {  	[smem:$0x3FB9] =	sst s0;
	s0 =	simm.s32 @!p2 $0x0  }
0x16: {  	s3 =	sld [smem:$0x3FDB];
	s0 =	simm.s32 @p2 $0x1  }
0x17: {  	s4 =	simm.s32 $0x1BF5;
	[smem:$0x3FBB] =	sst s0  }
0x18: {  	s0 =	sld [smem:$0x3F9E];
	_ =	swait.ge [sflag:s4], $0x0  }
0x19: {  	s7 =	sld [smem:$0x3F9F]  }
0x1a: {  	s8 =	sadd.s32 $0xFFFFE003, lr  }
0x1b: {  	s9 =	sadd.s32 $0xFFFFFEF7, lr;
	s5 =	simm.s32 $0xFFFFFFFF;
	p2 =	slt.u32 s8, $0xFFFFF086  }
0x1c: {  	p1 =	slt.u32 s9, $0xF7A;
	s5 =	simm.s32 @!p2 $0x0  }
0x1d: {  	s5 =	simm.s32 @p1 $0x1;
	p0 =	seq.s32 s7, s2  }
0x1e: {  	s7 =	smul.u32 @!p0 $0xF7A, s2;
	p2 =	seq.s32 @!p0 s5, $0x0  }
0x1f: {  	s9 =	smul.u32 $0xF7A, s1;
	s8 =	simm.s32 @!p0 $0x1BF5;
	p2 =	por !p2, p0  }
0x20: {  	[sflag:s8] =	ssyncset.s32 @!p0 $0xFFFFF086;
	s6 =	sadd.s32 @!p0 s3, s7;
	s7 =	simm.s32 @!p0 $0x108  }
0x21: {  	s3 =	sadd.s32 s3, s9;
	s6 =	sadd.s32 @!p0 $0x88, s6;
	s7 =	simm.s32 @p2 $0x1082  }
0x22: {  	[simem:s7], [sflag:s8] =	dma.local @!p0 [hbm:s6], $0xF7A  }
0x23: {  	s9 =	sor.u32 $0xD0000000, s2;
	s6 =	simm.s32 $0x108;
	_ =	swait.ge @!p0 [sflag:s8], $0x0  }
0x24: {  	s3 =	sadd.s32 $0x88, s3;
	s6 =	simm.s32 @!p1 $0x1082;
	[sflag:s4] =	ssyncset.s32 $0xFFFFF086  }
0x25: {  	[simem:s6], [sflag:s4] =	dma.local [hbm:s3], $0xF7A  }
0x26: {  	[smem:$0x3F9F] =	sst s1;
	(tag) =	ssettag s2;
	_ =	strace s9  }
0x27: {  	s1 =	sld [smem:$0x3FAF]  }
0x28: {  	s2 =	sld [smem:$0x3FB0]  }
0x29: {  	s4 =	sld [smem:$0x3FB2]  }
0x2a: {  	p0 =	seq.s32 s5, $0x0;
	s5 =	sld [smem:$0x3FB3]  }
0x2b: {  	s6 =	sld [smem:$0x3FB4]  }
0x2c: {  	s7 =	sld [smem:$0x3FB5]  }
0x2d: {  	s3 =	simm.s32 $0x108;
	s8 =	sld [smem:$0x3FB6]  }
0x2e: {  	s3 =	simm.s32 @!p0 $0x1082;
	s9 =	sld [smem:$0x3FB7]  }
0x2f: {  	lr =	sadd.s32 s0, s3;
	s0 =	sld [smem:$0x3FAE]  }
0x30: {  	s3 =	sld [smem:$0x3FB1]  }
0x31: {  	[smem:$0x3FBA] =	sst s10  }
0x32: {  	s10 =	sld [smem:$0x3FB8];
	_ =	sdelay $0x3  }
0x33: {  	p0 =	seq.s32 s10, $0x1;
	s10 =	sld [smem:$0x3FBA];
	_ =	sdelay $0x3  }
0x34: {  	[smem:$0x3FBA] =	sst s10  }
0x35: {  	s10 =	sld [smem:$0x3FB9];
	_ =	sdelay $0x3  }
0x36: {  	p1 =	seq.s32 s10, $0x1;
	s10 =	sld [smem:$0x3FBA];
	_ =	sdelay $0x3  }
0x37: {  	[smem:$0x3FBA] =	sst s10  }
0x38: {  	s10 =	sld [smem:$0x3FBB]  }
0x39: {  	_ = 	snop;
	(pc) =	sbr.ind lr, $3  }
0x3a: {  	_ = 	snop  }
0x3b: {  	_ = 	snop  }
0x3c: {  	p2 =	seq.s32 s10, $0x1;
	s10 =	sld [smem:$0x3FBA]  }
0x3d: {  	_ =	shalt  }
0x3e: {  	_ =	shalt  }
0x3f: {  	_ =	shalt  }
0x40: {  	_ =	shalt  }
0x41: {  	_ =	shalt  }
0x42: {  	_ =	shalt  }
0x43: {  	_ =	shalt  }
0x44: {  	_ =	shalt  }
0x45: {  	_ =	shalt  }
0x46: {  	_ =	shalt  }
0x47: {  	_ =	shalt  }
0x48: {  	_ =	shalt  }
0x49: {  	_ =	shalt  }
0x4a: {  	_ =	shalt  }
0x4b: {  	_ =	shalt  }
0x4c: {  	_ =	shalt  }
0x4d: {  	_ =	shalt  }
0x4e: {  	_ =	shalt  }
0x4f: {  	_ =	shalt  }
0x50: {  	_ =	shalt  }
0x51: {  	_ =	shalt  }
0x52: {  	_ =	shalt  }
0x53: {  	_ =	shalt  }
0x54: {  	_ =	shalt  }
0x55: {  	_ =	shalt  }
0x56: {  	_ =	shalt  }
0x57: {  	_ =	shalt  }
0x58: {  	_ =	shalt  }
0x59: {  	_ =	shalt  }
0x5a: {  	_ =	shalt  }
0x5b: {  	_ =	shalt  }
0x5c: {  	_ =	shalt  }
0x5d: {  	_ =	shalt  }
0x5e: {  	_ =	shalt  }
0x5f: {  	_ =	shalt  }
0x60: {  	_ =	shalt  }
0x61: {  	_ =	shalt  }
0x62: {  	_ =	shalt  }
0x63: {  	_ =	shalt  }
0x64: {  	_ =	shalt  }
0x65: {  	_ =	shalt  }
0x66: {  	_ =	shalt  }
0x67: {  	_ =	shalt  }
0x68: {  	_ =	shalt  }
0x69: {  	_ =	shalt  }
0x6a: {  	_ =	shalt  }
0x6b: {  	_ =	shalt  }
0x6c: {  	_ =	shalt  }
0x6d: {  	_ =	shalt  }
0x6e: {  	_ =	shalt  }
0x6f: {  	_ =	shalt  }
0x70: {  	_ =	shalt  }
0x71: {  	_ =	shalt  }
0x72: {  	_ =	shalt  }
0x73: {  	_ =	shalt  }
0x74: {  	_ =	shalt  }
0x75: {  	_ =	shalt  }
0x76: {  	_ =	shalt  }
0x77: {  	_ =	shalt  }
0x78: {  	_ =	shalt  }
0x79: {  	_ =	shalt  }
0x7a: {  	_ =	shalt  }
0x7b: {  	_ =	shalt  }
0x7c: {  	_ =	shalt  }
0x7d: {  	_ =	shalt  }
0x7e: {  	_ =	shalt  }
0x7f: {  	_ =	shalt  }
0x80: {  	_ =	shalt  }
0x81: {  	_ =	shalt  }
0x82: {  	_ =	shalt  }
0x83: {  	_ =	shalt  }
0x84: {  	_ =	shalt  }
0x85: {  	_ =	shalt  }
0x86: {  	_ =	shalt  }
0x87: {  	_ =	shalt  }
.Lfunc_end0:
.L_simem_size_0:
called_computation_lowered:
.L_overlay_start_0:
0x88: {  	s2 =	sld [smem:$0x3FD9]  }
0x89: {  	s3 =	sld [smem:$0x3FFE];
	_ =	sdelay $0x1  }
0x8a: {  	s1 =	srdreg.scid  }
0x8b: {  	s0 =	sand.u32 $0x1, s1  }
0x8c: {  	s17 =	sshll.u32 s0, $0xA;
	s2 =	sadd.s32 s3, s2  }
0x8d: {  	s2 =	sadd.s32 s2, s17  }
0x8e: {  	[smem:$0x3FC6] =	sst s2  }
0x8f: {  	_ = 	snop  }
0x90: {  	s2 =	sld [smem:$0x3FC8]  }
0x91: {  	s18 =	sld [smem:$0x3FD0];
	(tm) =	ssettm $0x1  }
0x92: {  	s4 =	sld [smem:$0x3FFB];
	_ =	sdelay $0x3  }
0x93: {  	_ =	strace s4  }
0x94: {  	s4 =	sld [smem:$0x3FFC];
	_ =	sdelay $0x3  }
0x95: {  	_ =	strace s4  }
0x96: {  	s4 =	sld [smem:$0x3FFD];
	_ =	sdelay $0x3  }
0x97: {  	_ =	strace s4  }
0x98: {  	_ =	strace $0x8FFFFFFF  }
0x99: {  	s19 =	sld [smem:$0x3FDB];
	_ =	sdelay $0x1  }
0x9a: {  	s5 =	simm.s32 $_scs_section_size  }
0x9b: {  	s6 =	simm.s32 $_size__tile_overlayer_lowered;
	s7 =	simm.s32 $_tile_overlayer_lowered  }
0x9c: {  	s22 =	simm.s32 $0x1BFF;
	s21 =	sshll.u32 s7, $0x1;
	s4 =	sadd.s32 s5, s19  }
0x9d: {  	s8 =	simm.s32 $0x0;
	s20 =	sshll.u32 s6, $0x1;
	s6 =	sadd.s32 s21, s4  }
0x9e: {  	[timem:s8], [sflag:s22] =	dma.local [hbm:s6], s20  }
0x9f: {  	_ =	swait.ge [sflag:s22], s20  }
0xa0: {  	s5 =	ssub.s32 $0x0, s20;
	[sflag:s22] =	ssyncset.done $0x0  }
0xa1: {  	[sflag:s22] =	ssyncadd.s32 s5;
	_ =	sdelay $0x1  }
0xa2: {  	s23 =	simm.s32 $0x1B8B  }
0xa3: {  	_ =	swait.ge [sflag:s23], $0x1  }
0xa4: {  	[sflag:s23] =	ssyncset.done $0x0  }
0xa5: {  	s25 =	simm.s32 $0x1B8E;
	s24 =	sld [smem:$0x3FFE];
	[sflag:s23] =	ssyncadd.s32 $0xFFFFFFFF  }
0xa6: {  	s26 =	simm.s32 $execute0_lowered;
	[smem:$0x3FD2] =	sst s25  }
0xa7: {  	s6 =	sshll.u32 s26, $0x1;
	_ =	strace $0x80000046;
	[dreg:$0x1] =	wrdreg $0xFFFFFFFF  }
0xa8: {  	s28 =	simm.s32 $_size_execute0_lowered;
	s4 =	sadd.s32 s4, s6;
	[dreg:$0x0] =	wrdreg $0x0  }
0xa9: {  	s6 =	sshll.u32 s28, $0x1;
	[dreg:$0x2] =	wrdreg s4  }
0xaa: {  	[dreg:$0x3] =	wrdreg s6  }
0xab: {  	[dreg:$0x4] =	wrdreg $0xC0  }
0xac: {  	_ =	task [dreg:s8], $0x5FFFF  }
0xad: {  	[dreg:$0x1] =	wrdreg $0xFFFFFFFF  }
0xae: {  	[dreg:$0x0] =	wrdreg $0x60  }
0xaf: {  	[dreg:$0x2] =	wrdreg s24  }
0xb0: {  	[dreg:$0x3] =	wrdreg s2  }
0xb1: {  	[dreg:$0x4] =	wrdreg s18  }
0xb2: {  	[dreg:$0x5] =	wrdreg $0x9  }
0xb3: {  	_ =	task.clear_ibuf [dreg:s8], $0x6FFFF;
	_ =	strace $0x90000046  }
0xb4: {  	s29 =	simm.s32 $0x9;
	_ =	strace $0x80000048  }
0xb5: {  	_ =	swait.ge [sflag:s29], $0x1  }
0xb6: {  	[sflag:s29] =	ssyncadd.s32 $0xFFFFFFFF  }
0xb7: {  	_ =	strace $0x90000048  }
0xb8: {  	_ =	sfence  }
0xb9: {  	s30 =	sld [smem:$0x0];
	_ =	sdelay $0x2  }
0xba: {  	s31 =	sshll.u32 s1, $0xD;
	s1 =	sshrl.u32 s1, $0x2  }
0xbb: {  	s3 =	sand.u32 $0x4000, s31;
	s1 =	sadd.s32 s1, s30  }
0xbc: {  	s0 =	sor.u32 s3, s0;
	s1 =	sshll.u32 s1, $0x11  }
0xbd: {  	s0 =	sor.u32 s1, s0  }
0xbe: {  	s0 =	sadd.s32 $0x8F2B, s0  }
0xbf: {  	[sflag:s0] =	ssyncadd.remote.s32 $0x1  }
0xc0: {  	_ =	sfence.sel $0xFFFF  }
0xc1: {  	[dreg:$0x0] =	wrdreg $0xFFFFFFFF;
	(pc) =	sbr.abs _section_cstart, $3  }
0xc2: {  	[dreg:$0x1] =	wrdreg $0xFFFFFFFF  }
0xc3: {  	_ =	task.clear_ibuf [dreg:s8], $0x2FFFF;
	_ =	strace $0x9FFFFFFF  }
0xc4: {  	(tm) =	ssettm $0x7FFFFFFF  }
0xc5: {  	_ =	shalt  }
tec
execute0_lowered:
.L_overlay_start_1:
0x0: {  	(tag) =	ssettag $0x1  }
0x1: {  	s0 =	rddreg [dreg:$0x0]  }
0x2: {  	s1 =	srdreg.scid;
	s2 =	rddreg [dreg:$0x1]  }
0x3: {  	s8 =	stileid.u32;
	s7 =	rddreg [dreg:$0x2];
	s12 =	simm.s32 $0xB  }
0x4: {  	s13 =	simm.s32 $0x80;
	s14 =	simm.s32 $0x6400;
	s15 =	simm.s32 $0xA400  }
0x5: {  	s17 =	simm.s32 $0xE400;
	s19 =	simm.s32 $0x12400;
	s21 =	simm.s32 $0x16400  }
0x6: {  	s22 =	simm.s32 $0x1;
	s23 =	simm.s32 $0x2;
	s28 =	simm.s32 $0x6  }
0x7: {  	s29 =	simm.s32 $0x7;
	s1 =	sand.u32 $0x1, s1;
	s3 =	sshll.u32 s8, $0x1  }
0x8: {  	s30 =	simm.s32 $0x8;
	s8 =	smul.u32 $0xC8000, s8;
	s4 =	sor.u32 s1, s3  }
0x9: {  	s3 =	simm.s32 $0x0;
	s6 =	ssub.s32 $0x2, s1;
	s1 =	smul.u32 $0x64000, s1  }
0xa: {  	s31 =	simm.s32 $0x9;
	s5 =	smul.u32 $0x6400, s4;
	[smem:$0x7FF] =	sst s3  }
0xb: {  	s4 =	smul.u32 $0x320000, s4;
	s24 =	sshrl.u32 s6, $0x1;
	s9 =	sadd.s32 s8, s7  }
0xc: {  	_ =	strace $0x80000047;
	s10 =	ssub.s32 s6, s24;
	s1 =	sadd.s32 s1, s9  }
0xd: {  	s24 =	simm.s32 $0x3;
	s5 =	sshrl.u32 s5, $0x3;
	s25 =	sshrl.u32 s4, $0x3  }
0xe: {  	s10 =	smax.u32 s10, $0x1;
	s11 =	sadd.s32 $0x2000, s1;
	s1 =	simm.s32 $0xA  }
0xf: {  	s0 =	sadd.s32 s5, s0;
	s26 =	sadd.s32 s7, s25;
	s25 =	simm.s32 $0x4  }
0x10: {  	s0 =	sadd.s32 $0x400, s0;
	s5 =	sadd.s32 $0x61800, s26;
	s6 =	sadd.s32 $0x62000, s26  }
0x11: {  	s7 =	sadd.s32 $0x62800, s26;
	s8 =	sadd.s32 $0x63000, s26;
	s9 =	sadd.s32 $0x63800, s26  }
0x12: {  	s26 =	simm.s32 $0x5;
	[dreg:$0x4] =	wrdreg s0;
	s0 =	simm.s32 $0x0  }
.LBB2_1:
0x13: {  	s4 =	rddreg [dreg:$0x4]  }
0x14: {  	[tilespmem:s3], [sflag:$0xB] =	stream.linear.gather [hbm4b:s4+s3], $0x6400, $0x38;
	[tilespmem:$0x1A400] =	vst v63  }
0x15: {  	_ =	swait.ge [sflag:s12], $0x6400  }
0x16: {  	[sflag:s12] =	ssyncset.done $0x0  }
0x17: {  	[sflag:s12] =	ssyncadd.s32 $0xFFFF9C00  }
0x18: {  	[tilespmem:s14], [sflag:$0x1] =	stream.indirect.gather [hbm4b:s2+s13], $0x80, s3, s13, $0xb8;
	[tilespmem:$0x1A400] =	vst v63  }
0x19: {  	_ = 	snop  }
0x1a: {  	[tilespmem:s15], [sflag:$0x2] =	stream.indirect.gather [hbm4b:s2+s13], $0x80, s13, s13, $0xb8;
	[tilespmem:$0x1A400] =	vst v63  }
0x1b: {  	s20 =	simm.s32 $0x100  }
0x1c: {  	[tilespmem:s17], [sflag:$0x3] =	stream.indirect.gather [hbm4b:s2+s13], $0x80, s20, s13, $0xb8;
	[tilespmem:$0x1A400] =	vst v63  }
0x1d: {  	s16 =	simm.s32 $0x180  }
0x1e: {  	[tilespmem:s19], [sflag:$0x4] =	stream.indirect.gather [hbm4b:s2+s13], $0x80, s16, s13, $0xb8;
	[tilespmem:$0x1A400] =	vst v63  }
0x1f: {  	s18 =	simm.s32 $0x200  }
0x20: {  	[tilespmem:s21], [sflag:$0x5] =	stream.indirect.gather [hbm4b:s2+s13], $0x80, s18, s13, $0xb8;
	[tilespmem:$0x1A400] =	vst v63  }
0x21: {  	_ =	swait.ge [sflag:s22], $0x4000  }
0x22: {  	[sflag:s22] =	ssyncset.done $0x0  }
0x23: {  	s16 =	sadd.s32 $0xFFFFE000, s11;
	[sflag:s22] =	ssyncadd.s32 $0xFFFFC000  }
0x24: {  	[hbm4b:s16+s3] =	stream.linear.scatter [tilespmem:s14], [sflag:$0x6], $0x4000, $0x38;
	[tilespmem:$0x1A400] =	vst v63  }
0x25: {  	_ =	swait.ge [sflag:s23], $0x4000  }
0x26: {  	[sflag:s23] =	ssyncset.done $0x0  }
0x27: {  	s20 =	sadd.s32 $0xFFFFE800, s11;
	[sflag:s23] =	ssyncadd.s32 $0xFFFFC000  }
0x28: {  	[hbm4b:s20+s3] =	stream.linear.scatter [tilespmem:s15], [sflag:$0x7], $0x4000, $0x38;
	[tilespmem:$0x1A400] =	vst v63  }
0x29: {  	_ =	swait.ge [sflag:s24], $0x4000  }
0x2a: {  	[sflag:s24] =	ssyncset.done $0x0  }
0x2b: {  	s4 =	sadd.s32 $0xFFFFF000, s11;
	[sflag:s24] =	ssyncadd.s32 $0xFFFFC000  }
0x2c: {  	[hbm4b:s4+s3] =	stream.linear.scatter [tilespmem:s17], [sflag:$0x8], $0x4000, $0x38;
	[tilespmem:$0x1A400] =	vst v63  }
0x2d: {  	_ =	swait.ge [sflag:s25], $0x4000  }
0x2e: {  	[sflag:s25] =	ssyncset.done $0x0  }
0x2f: {  	s18 =	sadd.s32 $0xFFFFF800, s11;
	[sflag:s25] =	ssyncadd.s32 $0xFFFFC000  }
0x30: {  	[hbm4b:s18+s3] =	stream.linear.scatter [tilespmem:s19], [sflag:$0x9], $0x4000, $0x38;
	[tilespmem:$0x1A400] =	vst v63  }
0x31: {  	_ =	swait.ge [sflag:s26], $0x4000  }
0x32: {  	[sflag:s26] =	ssyncset.done $0x0  }
0x33: {  	[sflag:s26] =	ssyncadd.s32 $0xFFFFC000  }
0x34: {  	[hbm4b:s11+s3] =	stream.linear.scatter [tilespmem:s21], [sflag:$0xA], $0x4000, $0x38;
	[tilespmem:$0x1A400] =	vst v63  }
0x35: {  	_ =	swait.ge [sflag:s28], $0x4000  }
0x36: {  	[sflag:s28] =	ssyncset.done $0x0  }
0x37: {  	s20 =	simm.s32 $0x280;
	[sflag:s28] =	ssyncadd.s32 $0xFFFFC000  }
0x38: {  	[tilespmem:s14], [sflag:$0x1] =	stream.indirect.gather [hbm4b:s2+s13], $0x80, s20, s13, $0xb8;
	[tilespmem:$0x1A400] =	vst v63  }
0x39: {  	_ =	swait.ge [sflag:s29], $0x4000  }
0x3a: {  	[sflag:s29] =	ssyncset.done $0x0  }
0x3b: {  	s4 =	simm.s32 $0x300;
	[sflag:s29] =	ssyncadd.s32 $0xFFFFC000  }
0x3c: {  	[tilespmem:s15], [sflag:$0x2] =	stream.indirect.gather [hbm4b:s2+s13], $0x80, s4, s13, $0xb8;
	[tilespmem:$0x1A400] =	vst v63  }
0x3d: {  	_ =	swait.ge [sflag:s30], $0x4000  }
0x3e: {  	[sflag:s30] =	ssyncset.done $0x0  }
0x3f: {  	s18 =	simm.s32 $0x380;
	[sflag:s30] =	ssyncadd.s32 $0xFFFFC000  }
0x40: {  	[tilespmem:s17], [sflag:$0x3] =	stream.indirect.gather [hbm4b:s2+s13], $0x80, s18, s13, $0xb8;
	[tilespmem:$0x1A400] =	vst v63  }
0x41: {  	_ =	swait.ge [sflag:s31], $0x4000  }
0x42: {  	[sflag:s31] =	ssyncset.done $0x0  }
0x43: {  	s20 =	simm.s32 $0x400;
	[sflag:s31] =	ssyncadd.s32 $0xFFFFC000  }
0x44: {  	[tilespmem:s19], [sflag:$0x4] =	stream.indirect.gather [hbm4b:s2+s13], $0x80, s20, s13, $0xb8;
	[tilespmem:$0x1A400] =	vst v63  }
0x45: {  	_ =	swait.ge [sflag:s1], $0x4000  }
0x46: {  	s16 =	simm.s32 $0xA00;
	[sflag:s1] =	ssyncset.done $0x0  }
0x47: {  	s18 =	sadd.s32 $0x2800, s11;
	s20 =	simm.s32 $0x480;
	[sflag:s1] =	ssyncadd.s32 $0xFFFFC000  }
.LBB2_2:
0x48: {  	[tilespmem:s21], [sflag:$0x5] =	stream.indirect.gather [hbm4b:s2+s13], $0x80, s20, s13, $0xb8;
	[tilespmem:$0x1A400] =	vst v63  }
0x49: {  	s20 =	smov.u32 s16  }
0x4a: {  	p0 =	sne.s32 s16, $0x17C00;
	s16 =	sadd.s32 $0xA00, s16;
	_ =	swait.ge [sflag:s22], $0x4000  }
0x4b: {  	[sflag:s22] =	ssyncset.done $0x0  }
0x4c: {  	s4 =	sadd.s32 $0xFFFFE000, s18;
	[sflag:s22] =	ssyncadd.s32 $0xFFFFC000  }
0x4d: {  	[hbm4b:s4+s3] =	stream.linear.scatter [tilespmem:s14], [sflag:$0x6], $0x4000, $0x38;
	[tilespmem:$0x1A400] =	vst v63  }
0x4e: {  	_ =	swait.ge [sflag:s23], $0x4000  }
0x4f: {  	[sflag:s23] =	ssyncset.done $0x0  }
0x50: {  	s4 =	sadd.s32 $0xFFFFE800, s18;
	[sflag:s23] =	ssyncadd.s32 $0xFFFFC000  }
0x51: {  	[hbm4b:s4+s3] =	stream.linear.scatter [tilespmem:s15], [sflag:$0x7], $0x4000, $0x38;
	[tilespmem:$0x1A400] =	vst v63  }
0x52: {  	_ =	swait.ge [sflag:s24], $0x4000  }
0x53: {  	[sflag:s24] =	ssyncset.done $0x0  }
0x54: {  	s4 =	sadd.s32 $0xFFFFF000, s18;
	[sflag:s24] =	ssyncadd.s32 $0xFFFFC000  }
0x55: {  	[hbm4b:s4+s3] =	stream.linear.scatter [tilespmem:s17], [sflag:$0x8], $0x4000, $0x38;
	[tilespmem:$0x1A400] =	vst v63  }
0x56: {  	_ =	swait.ge [sflag:s25], $0x4000  }
0x57: {  	[sflag:s25] =	ssyncset.done $0x0  }
0x58: {  	s4 =	sadd.s32 $0xFFFFF800, s18;
	[sflag:s25] =	ssyncadd.s32 $0xFFFFC000  }
0x59: {  	[hbm4b:s4+s3] =	stream.linear.scatter [tilespmem:s19], [sflag:$0x9], $0x4000, $0x38;
	[tilespmem:$0x1A400] =	vst v63  }
0x5a: {  	_ =	swait.ge [sflag:s26], $0x4000  }
0x5b: {  	[sflag:s26] =	ssyncset.done $0x0  }
0x5c: {  	[sflag:s26] =	ssyncadd.s32 $0xFFFFC000  }
0x5d: {  	[hbm4b:s18+s3] =	stream.linear.scatter [tilespmem:s21], [sflag:$0xA], $0x4000, $0x38;
	[tilespmem:$0x1A400] =	vst v63  }
0x5e: {  	_ =	swait.ge [sflag:s28], $0x4000  }
0x5f: {  	s4 =	sshra.s32 s20, $0x2;
	[sflag:s28] =	ssyncset.done $0x0  }
0x60: {  	s20 =	sadd.s32 $0x280, s4;
	[sflag:s28] =	ssyncadd.s32 $0xFFFFC000  }
0x61: {  	[tilespmem:s14], [sflag:$0x1] =	stream.indirect.gather [hbm4b:s2+s13], $0x80, s20, s13, $0xb8;
	[tilespmem:$0x1A400] =	vst v63  }
0x62: {  	_ =	swait.ge [sflag:s29], $0x4000  }
0x63: {  	[sflag:s29] =	ssyncset.done $0x0  }
0x64: {  	s20 =	sadd.s32 $0x300, s4;
	[sflag:s29] =	ssyncadd.s32 $0xFFFFC000  }
0x65: {  	[tilespmem:s15], [sflag:$0x2] =	stream.indirect.gather [hbm4b:s2+s13], $0x80, s20, s13, $0xb8;
	[tilespmem:$0x1A400] =	vst v63  }
0x66: {  	_ =	swait.ge [sflag:s30], $0x4000  }
0x67: {  	[sflag:s30] =	ssyncset.done $0x0  }
0x68: {  	s20 =	sadd.s32 $0x380, s4;
	[sflag:s30] =	ssyncadd.s32 $0xFFFFC000  }
0x69: {  	[tilespmem:s17], [sflag:$0x3] =	stream.indirect.gather [hbm4b:s2+s13], $0x80, s20, s13, $0xb8;
	[tilespmem:$0x1A400] =	vst v63  }
0x6a: {  	_ =	swait.ge [sflag:s31], $0x4000  }
0x6b: {  	[sflag:s31] =	ssyncset.done $0x0  }
.Ltmp0:
0x6c: {  	s20 =	sadd.s32 $0x400, s4;
	[sflag:s31] =	ssyncadd.s32 $0xFFFFC000;
	(pc) =	sbr.rel @p0 .LBB2_2-.Ltmp0, $4  }
0x6d: {  	[tilespmem:s19], [sflag:$0x4] =	stream.indirect.gather [hbm4b:s2+s13], $0x80, s20, s13, $0xb8;
	[tilespmem:$0x1A400] =	vst v63  }
0x6e: {  	_ =	swait.ge [sflag:s1], $0x4000  }
0x6f: {  	[sflag:s1] =	ssyncset.done $0x0  }
0x70: {  	s18 =	sadd.s32 $0x2800, s18;
	s20 =	sadd.s32 $0x480, s4;
	[sflag:s1] =	ssyncadd.s32 $0xFFFFC000  }
0x71: {  	[tilespmem:s21], [sflag:$0x5] =	stream.indirect.gather [hbm4b:s2+s13], $0x80, s20, s13, $0xb8;
	[tilespmem:$0x1A400] =	vst v63  }
0x72: {  	_ =	swait.ge [sflag:s22], $0x4000  }
0x73: {  	[sflag:s22] =	ssyncset.done $0x0  }
0x74: {  	[sflag:s22] =	ssyncadd.s32 $0xFFFFC000  }
0x75: {  	[hbm4b:s5+s3] =	stream.linear.scatter [tilespmem:s14], [sflag:$0x6], $0x4000, $0x38;
	[tilespmem:$0x1A400] =	vst v63  }
0x76: {  	_ =	swait.ge [sflag:s23], $0x4000  }
0x77: {  	[sflag:s23] =	ssyncset.done $0x0  }
0x78: {  	[sflag:s23] =	ssyncadd.s32 $0xFFFFC000  }
0x79: {  	[hbm4b:s6+s3] =	stream.linear.scatter [tilespmem:s15], [sflag:$0x7], $0x4000, $0x38;
	[tilespmem:$0x1A400] =	vst v63  }
0x7a: {  	_ =	swait.ge [sflag:s24], $0x4000  }
0x7b: {  	[sflag:s24] =	ssyncset.done $0x0  }
0x7c: {  	[sflag:s24] =	ssyncadd.s32 $0xFFFFC000  }
0x7d: {  	[hbm4b:s7+s3] =	stream.linear.scatter [tilespmem:s17], [sflag:$0x8], $0x4000, $0x38;
	[tilespmem:$0x1A400] =	vst v63  }
0x7e: {  	_ =	swait.ge [sflag:s25], $0x4000  }
0x7f: {  	[sflag:s25] =	ssyncset.done $0x0  }
0x80: {  	[sflag:s25] =	ssyncadd.s32 $0xFFFFC000  }
0x81: {  	[hbm4b:s8+s3] =	stream.linear.scatter [tilespmem:s19], [sflag:$0x9], $0x4000, $0x38;
	[tilespmem:$0x1A400] =	vst v63  }
0x82: {  	_ =	swait.ge [sflag:s26], $0x4000  }
0x83: {  	[sflag:s26] =	ssyncset.done $0x0  }
0x84: {  	[sflag:s26] =	ssyncadd.s32 $0xFFFFC000  }
0x85: {  	[hbm4b:s9+s3] =	stream.linear.scatter [tilespmem:s21], [sflag:$0xA], $0x4000, $0x38;
	[tilespmem:$0x1A400] =	vst v63  }
0x86: {  	_ =	swait.ge [sflag:s28], $0x4000  }
0x87: {  	[sflag:s28] =	ssyncset.done $0x0  }
0x88: {  	[sflag:s28] =	ssyncadd.s32 $0xFFFFC000  }
0x89: {  	_ =	swait.ge [sflag:s29], $0x4000  }
0x8a: {  	[sflag:s29] =	ssyncset.done $0x0  }
0x8b: {  	[sflag:s29] =	ssyncadd.s32 $0xFFFFC000  }
0x8c: {  	_ =	swait.ge [sflag:s30], $0x4000  }
0x8d: {  	[sflag:s30] =	ssyncset.done $0x0  }
0x8e: {  	s0 =	sadd.s32 $0x1, s0;
	[sflag:s30] =	ssyncadd.s32 $0xFFFFC000  }
0x8f: {  	p0 =	sne.s32 s0, s10;
	_ =	swait.ge [sflag:s31], $0x4000  }
.Ltmp1:
0x90: {  	[sflag:s31] =	ssyncset.done $0x0;
	(pc) =	sbr.rel @p0 .LBB2_1-.Ltmp1, $4  }
0x91: {  	[sflag:s31] =	ssyncadd.s32 $0xFFFFC000  }
0x92: {  	_ =	swait.ge [sflag:s1], $0x4000  }
0x93: {  	[sflag:s1] =	ssyncset.done $0x0  }
0x94: {  	[sflag:s1] =	ssyncadd.s32 $0xFFFFC000  }
0x95: {  	_ =	sfence.sel $0x180000  }
0x96: {  	[bflag:$0x0] =	sbarrier.arrive $0xFFFF  }
0x97: {  	_ =	strace $0x90000047  }
0x98: {  	s0 =	stileid.u32;
	[bflag:$0x2] =	sbarrier.arrive $0xFFFF  }
0x99: {  	p0 =	sne.s32 s0, $0x0;
	s0 =	rddreg [dreg:$0x3]  }
0x9a: {  	s0 =	sadd.s32 @!p0 $0x100000, s0  }
0x9b: {  	[sflag:s0] =	ssyncadd.tile.s32 @!p0 $0x1;
	_ =	shalt  }
.Lfunc_end2:
_tile_overlayer_lowered:
.L_overlay_start_2:
0x9c: {  	(tag) =	ssettag $0x2  }
0x9d: {  	s0 =	rddreg [dreg:$0x0];
	s2 =	stileid.u32  }
0x9e: {  	s1 =	rddreg [dreg:$0x1];
	p0 =	sne.s32 s2, $0x0  }
0x9f: {  	s3 =	rddreg [dreg:$0x2];
	[bflag:$0x3] =	sbarrier.arrive $0xFFFF;
	s2 =	simm.s32 @!p0 $0x1C0B  }
0xa0: {  	[timem:s3], [sflag:s2] =	dma.local @!p0 [hbm:s0], s1  }
0xa1: {  	s0 =	simm.s32 @!p0 $0xB  }
0xa2: {  	_ =	swait.ge @!p0 [sflag:s0], s1  }
0xa3: {  	s1 =	ssub.s32 @!p0 $0x0, s1;
	[sflag:s0] =	ssyncset.done @!p0 $0x0  }
0xa4: {  	[sflag:s0] =	ssyncadd.s32 @!p0 s1  }
0xa5: {  	[bflag:$0x3] =	sbarrier.arrive $0xFFFF  }
0xa6: {  	_ =	shalt  }

</sc_bundles>
